<compile_context>
chip_gen: v7x
topology: tpu7x:2x2x1
jax: 0.10.2.dev20260603
libtpu: 0.0.44.dev20260713+nightly
codegen_flags: <defaults>
</compile_context>

<pallas_src>
import jax
import jax.numpy as jnp
from jax import lax
from jax.experimental import pallas as pl
from jax.experimental.pallas import tpu as pltpu
from jax.experimental.pallas import tpu_sc as plsc

_NUM_KEYS = 64
_NUM_FEATURES = 128
_WIDTH = 128
_BATCH = 16384

_NC = 2
_NS = 16
_NW = _NC * _NS
_B_PER_W = _BATCH // _NW


def _table_body(kc, kp, kn, ke, w0, b0, w1, b1, w2, b2, w3, b3, wf, bf, out):
    f32 = jnp.float32
    k_col = lax.broadcasted_iota(jnp.int32, (_NUM_KEYS, 1), 0)
    p = k_col % 8
    n = 7 - p
    e = k_col // 8

    f_pos = jnp.zeros((_NUM_KEYS, _NUM_FEATURES), f32)
    f_neg = jnp.zeros((_NUM_KEYS, _NUM_FEATURES), f32)
    f_elec = jnp.zeros((_NUM_KEYS, _NUM_FEATURES), f32)
    for j in range(8):
        f_pos = f_pos + jnp.where(p == j, 1.0, 0.0) * kp[j, :][None, :]
        f_neg = f_neg + jnp.where(n == j, 1.0, 0.0) * kn[j, :][None, :]
        f_elec = f_elec + jnp.where(e == j, 1.0, 0.0) * ke[j, :][None, :]

    h = (
        jnp.dot(f_pos, w0[0:128, :], preferred_element_type=f32)
        + jnp.dot(f_neg, w0[128:256, :], preferred_element_type=f32)
        + jnp.dot(f_elec, w0[256:384, :], preferred_element_type=f32)
        + b0[...]
    )
    h = jnp.maximum(h, 0.0)
    h = jnp.maximum(jnp.dot(h, w1[...], preferred_element_type=f32) + b1[...], 0.0)
    h = jnp.maximum(jnp.dot(h, w2[...], preferred_element_type=f32) + b2[...], 0.0)
    h = jnp.maximum(jnp.dot(h, w3[...], preferred_element_type=f32) + b3[...], 0.0)
    indirect = jnp.dot(h, wf[...], preferred_element_type=f32) + bf[...]

    latent = jnp.where(k_col % 2 == 1, 1.0, 0.0)
    out[...] = latent * kc[...] + (1.0 - latent) * indirect


def _build_table(kc, kp, kn, ke, w0, b0, w1, b1, w2, b2, w3, b3, wf, bf):
    b0r = b0.reshape(1, _WIDTH)
    b1r = b1.reshape(1, _WIDTH)
    b2r = b2.reshape(1, _WIDTH)
    b3r = b3.reshape(1, _WIDTH)
    bfr = bf.reshape(1, _NUM_FEATURES)
    return pl.pallas_call(
        _table_body,
        out_shape=jax.ShapeDtypeStruct((_NUM_KEYS, _NUM_FEATURES), jnp.float32),
    )(kc, kp, kn, ke, w0, b0r, w1, b1r, w2, b2r, w3, b3r, wf, bfr)


_N_CHUNKS = 8
_CHUNK = _B_PER_W // _N_CHUNKS


def _gather_body(table_hbm, idx_hbm, out_hbm, table_sh, idx_v, rows_v,
                 gsem, ssem):
    sid = lax.axis_index("s")
    wid = sid * _NC + lax.axis_index("c")
    base = wid * _B_PER_W

    @pl.when(sid == 0)
    def _():
        pltpu.sync_copy(table_hbm, table_sh)

    pltpu.sync_copy(idx_hbm.at[pl.ds(base, _B_PER_W)], idx_v)
    plsc.subcore_barrier()

    gathers = []
    for i in range(_N_CHUNKS):
        gathers.append(pltpu.async_copy(
            table_sh.at[idx_v.at[pl.ds(i * _CHUNK, _CHUNK)]],
            rows_v.at[pl.ds(i * _CHUNK, _CHUNK)],
            gsem,
        ))
    scatters = []
    for i in range(_N_CHUNKS):
        gathers[i].wait()
        scatters.append(pltpu.async_copy(
            rows_v.at[pl.ds(i * _CHUNK, _CHUNK)],
            out_hbm.at[pl.ds(base + i * _CHUNK, _CHUNK)],
            ssem,
        ))
    for s in scatters:
        s.wait()


def _gather_call(table, idx):
    run = pl.kernel(
        _gather_body,
        mesh=plsc.VectorSubcoreMesh(core_axis_name="c", subcore_axis_name="s",
                                    num_cores=_NC, num_subcores=_NS),
        out_type=jax.ShapeDtypeStruct((_BATCH, _NUM_FEATURES), jnp.float32),
        scratch_types=[
            pltpu.VMEM_SHARED((_NUM_KEYS, _NUM_FEATURES), jnp.float32),
            pltpu.VMEM((_B_PER_W,), jnp.int32),
            pltpu.VMEM((_B_PER_W, _NUM_FEATURES), jnp.float32),
            pltpu.SemaphoreType.DMA,
            pltpu.SemaphoreType.DMA,
        ],
    )
    return run(table, idx)


@jax.jit
def kernel(input, kernel_cell, kernel_pos, kernel_neg, kernel_elec,
           W0, b0, W1, b1, W2, b2, W3, b3, Wf, bf):
    table = _build_table(kernel_cell, kernel_pos, kernel_neg, kernel_elec,
                         W0, b0, W1, b1, W2, b2, W3, b3, Wf, bf)
    out = _gather_call(table, input)
    return (out, 0.0)

# --- scband reference (transcript-rebuilt; emitter-appended) ---
"""Pipeline reference for scband-dictionary-network-layer-6966436954838 (READ-ONLY COPY).

The authoritative reference and input builder live on the scoring server;
editing this copy changes nothing except your own understanding.
"""

import jax, jax.numpy as jnp
import numpy as np

NUM_KEYS = 64
NUM_FEATURES = 128
WIDTH = 128
BATCH = 16384


def setup_inputs(seed: int = 0):
    key = jax.random.key(seed)
    ks = jax.random.split(key, 16)
    inp = {}
    inp['input'] = jax.random.randint(ks[0], (BATCH,), 0, NUM_KEYS, dtype=jnp.int32)
    inp['kernel_cell'] = jax.random.normal(ks[1], (NUM_KEYS, NUM_FEATURES), dtype=jnp.float32) * 0.1
    inp['kernel_pos'] = jax.random.normal(ks[2], (8, NUM_FEATURES), dtype=jnp.float32) * 0.1
    inp['kernel_neg'] = jax.random.normal(ks[3], (8, NUM_FEATURES), dtype=jnp.float32) * 0.1
    inp['kernel_elec'] = jax.random.normal(ks[4], (8, NUM_FEATURES), dtype=jnp.float32) * 0.1
    inp['W0'] = jax.random.normal(ks[5], (3 * NUM_FEATURES, WIDTH), dtype=jnp.float32) * (1.0 / np.sqrt(3 * NUM_FEATURES))
    inp['b0'] = jnp.zeros((WIDTH,), dtype=jnp.float32)
    inp['W1'] = jax.random.normal(ks[6], (WIDTH, WIDTH), dtype=jnp.float32) * (1.0 / np.sqrt(WIDTH))
    inp['b1'] = jnp.zeros((WIDTH,), dtype=jnp.float32)
    inp['W2'] = jax.random.normal(ks[7], (WIDTH, WIDTH), dtype=jnp.float32) * (1.0 / np.sqrt(WIDTH))
    inp['b2'] = jnp.zeros((WIDTH,), dtype=jnp.float32)
    inp['W3'] = jax.random.normal(ks[8], (WIDTH, WIDTH), dtype=jnp.float32) * (1.0 / np.sqrt(WIDTH))
    inp['b3'] = jnp.zeros((WIDTH,), dtype=jnp.float32)
    inp['Wf'] = jax.random.normal(ks[9], (WIDTH, NUM_FEATURES), dtype=jnp.float32) * 0.01
    inp['bf'] = jnp.zeros((NUM_FEATURES,), dtype=jnp.float32)
    return inp


def reference(input, kernel_cell, kernel_pos, kernel_neg, kernel_elec, W0, b0, W1, b1, W2, b2, W3, b3, Wf, bf):
    # Constants built from the init-time dictionaries:
    # latent flag = cell_id % 2; pos pointer = cell_id % 8;
    # neg pointer = 7 - (cell_id % 8); electrolyte pointer = cell_id // 8.
    keys_arr = jnp.arange(kernel_cell.shape[0], dtype=jnp.int32)
    latent = (keys_arr % 2).astype(jnp.float32)[:, None]
    pos_ptr = keys_arr % 8
    neg_ptr = 7 - (keys_arr % 8)
    elec_ptr = keys_arr // 8
    # get_all() -> features == mean == full kernel (log_sig slice is empty)
    fetched_cell = jnp.take(kernel_cell, input, axis=0)
    fetched_latent = jnp.take(latent, input, axis=0)
    p = jnp.take(pos_ptr, input, axis=0)
    n = jnp.take(neg_ptr, input, axis=0)
    e = jnp.take(elec_ptr, input, axis=0)
    f_pos = jnp.take(kernel_pos, p, axis=0)
    f_neg = jnp.take(kernel_neg, n, axis=0)
    f_elec = jnp.take(kernel_elec, e, axis=0)
    h = jnp.concatenate([f_pos, f_neg, f_elec], axis=1)
    h = jax.nn.relu(h @ W0 + b0)
    h = jax.nn.relu(h @ W1 + b1)
    h = jax.nn.relu(h @ W2 + b2)
    h = jax.nn.relu(h @ W3 + b3)
    indirect = h @ Wf + bf
    out = fetched_latent * fetched_cell + (1.0 - fetched_latent) * indirect
    return (out, 0.0)

if __name__ == "__main__":
    import jax
    _d = setup_inputs()
    print(jax.jit(kernel)(*tuple(_d.values())))

</pallas_src>

<mosaic_0001>
#map = affine_map<(d0, d1) -> (0, 0)>
#map1 = affine_map<(d0, d1) -> (0)>
module attributes {stable_mosaic.version = 14 : i64} {
  func.func @_gather_body(%arg0: i32, %arg1: i32, %arg2: memref<64x128xf32, #tpu.memory_space<hbm>>, %arg3: memref<16384xi32, #tpu.memory_space<hbm>>, %arg4: memref<16384x128xf32, #tpu.memory_space<hbm>>, %arg5: memref<64x128xf32, #tpu.memory_space<vmem_shared>>, %arg6: memref<512xi32, #tpu.memory_space<vmem>>, %arg7: memref<512x128xf32, #tpu.memory_space<vmem>>, %arg8: memref<!tpu.dma_semaphore, #tpu.memory_space<semaphore_mem>>, %arg9: memref<!tpu.dma_semaphore, #tpu.memory_space<semaphore_mem>>) attributes {dimension_semantics = [#tpu.dimension_semantics<core_parallel>, #tpu.dimension_semantics<subcore_parallel>], iteration_bounds = array<i64: 2, 16>, scalar_prefetch = 0 : i64, scratch_operands = 5 : i64, tpu.core_type = #tpu.core_type<sc_vector_subcore>, window_params = [{transform_indices = #map}, {transform_indices = #map1}, {transform_indices = #map}]} {
    %mul3A = arith.constant 2 : i32
    %mul3A_0 = arith.muli %arg1, %mul3A : i32
    %add3A = arith.addi %mul3A_0, %arg0 : i32
    %mul3A_1 = arith.constant 512 : i32
    %mul3A_2 = arith.muli %add3A, %mul3A_1 : i32
    %eq3A = arith.constant 0 : i32
    %eq3A_3 = arith.cmpi eq, %arg1, %eq3A : i32
    %convert_element_type3A = arith.extui %eq3A_3 : i1 to i32
    %cond3A = arith.constant 0 : i32
    %cond3A_4 = arith.cmpi ne, %convert_element_type3A, %cond3A : i32
    scf.if %cond3A_4 {
      "tpu.region"() ({
        %run_scoped3A = tpu.sem_alloc : memref<!tpu.dma_semaphore, #tpu.memory_space<semaphore_mem>>
        tpu.enqueue_dma source(%arg2 : memref<64x128xf32, #tpu.memory_space<hbm>>) target(%arg5 : memref<64x128xf32, #tpu.memory_space<vmem_shared>>) target_semaphore(%run_scoped3A : memref<!tpu.dma_semaphore, #tpu.memory_space<semaphore_mem>>)
        tpu.wait_dma2 semaphore(%run_scoped3A : memref<!tpu.dma_semaphore, #tpu.memory_space<semaphore_mem>>) src(%arg2 : memref<64x128xf32, #tpu.memory_space<hbm>>) dst(%arg5 : memref<64x128xf32, #tpu.memory_space<vmem_shared>>)
        tpu.yield
      }) : () -> ()
    } else {
    }
    "tpu.region"() ({
      %run_scoped3A = tpu.sem_alloc : memref<!tpu.dma_semaphore, #tpu.memory_space<semaphore_mem>>
      %dma_start3A_307 = tpu.memref_slice %arg3[%mul3A_2] : memref<16384xi32, #tpu.memory_space<hbm>> -> memref<512xi32, #tpu.memory_space<hbm>>
      %dma_start3A_308 = tpu.memref_slice %arg3[%mul3A_2] : memref<16384xi32, #tpu.memory_space<hbm>> -> memref<512xi32, #tpu.memory_space<hbm>>
      tpu.enqueue_dma source(%dma_start3A_308 : memref<512xi32, #tpu.memory_space<hbm>>) target(%arg6 : memref<512xi32, #tpu.memory_space<vmem>>) target_semaphore(%run_scoped3A : memref<!tpu.dma_semaphore, #tpu.memory_space<semaphore_mem>>)
      %dma_wait3A_309 = tpu.memref_slice %arg3[%mul3A_2] : memref<16384xi32, #tpu.memory_space<hbm>> -> memref<512xi32, #tpu.memory_space<hbm>>
      %dma_wait3A_310 = tpu.memref_slice %arg3[%mul3A_2] : memref<16384xi32, #tpu.memory_space<hbm>> -> memref<512xi32, #tpu.memory_space<hbm>>
      tpu.wait_dma2 semaphore(%run_scoped3A : memref<!tpu.dma_semaphore, #tpu.memory_space<semaphore_mem>>) src(%dma_wait3A_310 : memref<512xi32, #tpu.memory_space<hbm>>) dst(%arg6 : memref<512xi32, #tpu.memory_space<vmem>>)
      tpu.yield
    }) : () -> ()
    %barrier3A = arith.constant 0 : index
    tpu.barrier barrier_id(%barrier3A)
    %dma_start3A = arith.constant 0 : i32
    %dma_start3A_5 = arith.constant 0 : i32
    %dma_start3A_6 = tpu.memref_slice %arg7[%dma_start3A, %dma_start3A_5] : memref<512x128xf32, #tpu.memory_space<vmem>> -> memref<64x128xf32, #tpu.memory_space<vmem>>
    %dma_start3A_7 = arith.constant 0 : i32
    %dma_start3A_8 = tpu.memref_slice %arg6[%dma_start3A_7] : memref<512xi32, #tpu.memory_space<vmem>> -> memref<64xi32, #tpu.memory_space<vmem>>
    %dma_start3A_9 = arith.constant 0 : i32
    %dma_start3A_10 = arith.constant 0 : i32
    %dma_start3A_11 = tpu.memref_slice %arg5[%dma_start3A_9, %dma_start3A_10] : memref<64x128xf32, #tpu.memory_space<vmem_shared>> -> memref<64x128xf32, #tpu.memory_space<vmem_shared>>
    tpu.enqueue_indirect_dma source(%dma_start3A_11 : memref<64x128xf32, #tpu.memory_space<vmem_shared>>) target(%dma_start3A_6 : memref<64x128xf32, #tpu.memory_space<vmem>>) offsets(%dma_start3A_8 : memref<64xi32, #tpu.memory_space<vmem>>) semaphore(%arg8 : memref<!tpu.dma_semaphore, #tpu.memory_space<semaphore_mem>>)
    %dma_start3A_12 = arith.constant 64 : i32
    %dma_start3A_13 = arith.constant 0 : i32
    %dma_start3A_14 = tpu.memref_slice %arg7[%dma_start3A_12, %dma_start3A_13] : memref<512x128xf32, #tpu.memory_space<vmem>> -> memref<64x128xf32, #tpu.memory_space<vmem>>
    %dma_start3A_15 = arith.constant 64 : i32
    %dma_start3A_16 = tpu.memref_slice %arg6[%dma_start3A_15] : memref<512xi32, #tpu.memory_space<vmem>> -> memref<64xi32, #tpu.memory_space<vmem>>
    %dma_start3A_17 = arith.constant 0 : i32
    %dma_start3A_18 = arith.constant 0 : i32
    %dma_start3A_19 = tpu.memref_slice %arg5[%dma_start3A_17, %dma_start3A_18] : memref<64x128xf32, #tpu.memory_space<vmem_shared>> -> memref<64x128xf32, #tpu.memory_space<vmem_shared>>
    tpu.enqueue_indirect_dma source(%dma_start3A_19 : memref<64x128xf32, #tpu.memory_space<vmem_shared>>) target(%dma_start3A_14 : memref<64x128xf32, #tpu.memory_space<vmem>>) offsets(%dma_start3A_16 : memref<64xi32, #tpu.memory_space<vmem>>) semaphore(%arg8 : memref<!tpu.dma_semaphore, #tpu.memory_space<semaphore_mem>>)
    %dma_start3A_20 = arith.constant 128 : i32
    %dma_start3A_21 = arith.constant 0 : i32
    %dma_start3A_22 = tpu.memref_slice %arg7[%dma_start3A_20, %dma_start3A_21] : memref<512x128xf32, #tpu.memory_space<vmem>> -> memref<64x128xf32, #tpu.memory_space<vmem>>
    %dma_start3A_23 = arith.constant 128 : i32
    %dma_start3A_24 = tpu.memref_slice %arg6[%dma_start3A_23] : memref<512xi32, #tpu.memory_space<vmem>> -> memref<64xi32, #tpu.memory_space<vmem>>
    %dma_start3A_25 = arith.constant 0 : i32
    %dma_start3A_26 = arith.constant 0 : i32
    %dma_start3A_27 = tpu.memref_slice %arg5[%dma_start3A_25, %dma_start3A_26] : memref<64x128xf32, #tpu.memory_space<vmem_shared>> -> memref<64x128xf32, #tpu.memory_space<vmem_shared>>
    tpu.enqueue_indirect_dma source(%dma_start3A_27 : memref<64x128xf32, #tpu.memory_space<vmem_shared>>) target(%dma_start3A_22 : memref<64x128xf32, #tpu.memory_space<vmem>>) offsets(%dma_start3A_24 : memref<64xi32, #tpu.memory_space<vmem>>) semaphore(%arg8 : memref<!tpu.dma_semaphore, #tpu.memory_space<semaphore_mem>>)
    %dma_start3A_28 = arith.constant 192 : i32
    %dma_start3A_29 = arith.constant 0 : i32
    %dma_start3A_30 = tpu.memref_slice %arg7[%dma_start3A_28, %dma_start3A_29] : memref<512x128xf32, #tpu.memory_space<vmem>> -> memref<64x128xf32, #tpu.memory_space<vmem>>
    %dma_start3A_31 = arith.constant 192 : i32
    %dma_start3A_32 = tpu.memref_slice %arg6[%dma_start3A_31] : memref<512xi32, #tpu.memory_space<vmem>> -> memref<64xi32, #tpu.memory_space<vmem>>
    %dma_start3A_33 = arith.constant 0 : i32
    %dma_start3A_34 = arith.constant 0 : i32
    %dma_start3A_35 = tpu.memref_slice %arg5[%dma_start3A_33, %dma_start3A_34] : memref<64x128xf32, #tpu.memory_space<vmem_shared>> -> memref<64x128xf32, #tpu.memory_space<vmem_shared>>
    tpu.enqueue_indirect_dma source(%dma_start3A_35 : memref<64x128xf32, #tpu.memory_space<vmem_shared>>) target(%dma_start3A_30 : memref<64x128xf32, #tpu.memory_space<vmem>>) offsets(%dma_start3A_32 : memref<64xi32, #tpu.memory_space<vmem>>) semaphore(%arg8 : memref<!tpu.dma_semaphore, #tpu.memory_space<semaphore_mem>>)
    %dma_start3A_36 = arith.constant 256 : i32
    %dma_start3A_37 = arith.constant 0 : i32
    %dma_start3A_38 = tpu.memref_slice %arg7[%dma_start3A_36, %dma_start3A_37] : memref<512x128xf32, #tpu.memory_space<vmem>> -> memref<64x128xf32, #tpu.memory_space<vmem>>
    %dma_start3A_39 = arith.constant 256 : i32
    %dma_start3A_40 = tpu.memref_slice %arg6[%dma_start3A_39] : memref<512xi32, #tpu.memory_space<vmem>> -> memref<64xi32, #tpu.memory_space<vmem>>
    %dma_start3A_41 = arith.constant 0 : i32
    %dma_start3A_42 = arith.constant 0 : i32
    %dma_start3A_43 = tpu.memref_slice %arg5[%dma_start3A_41, %dma_start3A_42] : memref<64x128xf32, #tpu.memory_space<vmem_shared>> -> memref<64x128xf32, #tpu.memory_space<vmem_shared>>
    tpu.enqueue_indirect_dma source(%dma_start3A_43 : memref<64x128xf32, #tpu.memory_space<vmem_shared>>) target(%dma_start3A_38 : memref<64x128xf32, #tpu.memory_space<vmem>>) offsets(%dma_start3A_40 : memref<64xi32, #tpu.memory_space<vmem>>) semaphore(%arg8 : memref<!tpu.dma_semaphore, #tpu.memory_space<semaphore_mem>>)
    %dma_start3A_44 = arith.constant 320 : i32
    %dma_start3A_45 = arith.constant 0 : i32
    %dma_start3A_46 = tpu.memref_slice %arg7[%dma_start3A_44, %dma_start3A_45] : memref<512x128xf32, #tpu.memory_space<vmem>> -> memref<64x128xf32, #tpu.memory_space<vmem>>
    %dma_start3A_47 = arith.constant 320 : i32
    %dma_start3A_48 = tpu.memref_slice %arg6[%dma_start3A_47] : memref<512xi32, #tpu.memory_space<vmem>> -> memref<64xi32, #tpu.memory_space<vmem>>
    %dma_start3A_49 = arith.constant 0 : i32
    %dma_start3A_50 = arith.constant 0 : i32
    %dma_start3A_51 = tpu.memref_slice %arg5[%dma_start3A_49, %dma_start3A_50] : memref<64x128xf32, #tpu.memory_space<vmem_shared>> -> memref<64x128xf32, #tpu.memory_space<vmem_shared>>
    tpu.enqueue_indirect_dma source(%dma_start3A_51 : memref<64x128xf32, #tpu.memory_space<vmem_shared>>) target(%dma_start3A_46 : memref<64x128xf32, #tpu.memory_space<vmem>>) offsets(%dma_start3A_48 : memref<64xi32, #tpu.memory_space<vmem>>) semaphore(%arg8 : memref<!tpu.dma_semaphore, #tpu.memory_space<semaphore_mem>>)
    %dma_start3A_52 = arith.constant 384 : i32
    %dma_start3A_53 = arith.constant 0 : i32
    %dma_start3A_54 = tpu.memref_slice %arg7[%dma_start3A_52, %dma_start3A_53] : memref<512x128xf32, #tpu.memory_space<vmem>> -> memref<64x128xf32, #tpu.memory_space<vmem>>
    %dma_start3A_55 = arith.constant 384 : i32
    %dma_start3A_56 = tpu.memref_slice %arg6[%dma_start3A_55] : memref<512xi32, #tpu.memory_space<vmem>> -> memref<64xi32, #tpu.memory_space<vmem>>
    %dma_start3A_57 = arith.constant 0 : i32
    %dma_start3A_58 = arith.constant 0 : i32
    %dma_start3A_59 = tpu.memref_slice %arg5[%dma_start3A_57, %dma_start3A_58] : memref<64x128xf32, #tpu.memory_space<vmem_shared>> -> memref<64x128xf32, #tpu.memory_space<vmem_shared>>
    tpu.enqueue_indirect_dma source(%dma_start3A_59 : memref<64x128xf32, #tpu.memory_space<vmem_shared>>) target(%dma_start3A_54 : memref<64x128xf32, #tpu.memory_space<vmem>>) offsets(%dma_start3A_56 : memref<64xi32, #tpu.memory_space<vmem>>) semaphore(%arg8 : memref<!tpu.dma_semaphore, #tpu.memory_space<semaphore_mem>>)
    %dma_start3A_60 = arith.constant 448 : i32
    %dma_start3A_61 = arith.constant 0 : i32
    %dma_start3A_62 = tpu.memref_slice %arg7[%dma_start3A_60, %dma_start3A_61] : memref<512x128xf32, #tpu.memory_space<vmem>> -> memref<64x128xf32, #tpu.memory_space<vmem>>
    %dma_start3A_63 = arith.constant 448 : i32
    %dma_start3A_64 = tpu.memref_slice %arg6[%dma_start3A_63] : memref<512xi32, #tpu.memory_space<vmem>> -> memref<64xi32, #tpu.memory_space<vmem>>
    %dma_start3A_65 = arith.constant 0 : i32
    %dma_start3A_66 = arith.constant 0 : i32
    %dma_start3A_67 = tpu.memref_slice %arg5[%dma_start3A_65, %dma_start3A_66] : memref<64x128xf32, #tpu.memory_space<vmem_shared>> -> memref<64x128xf32, #tpu.memory_space<vmem_shared>>
    tpu.enqueue_indirect_dma source(%dma_start3A_67 : memref<64x128xf32, #tpu.memory_space<vmem_shared>>) target(%dma_start3A_62 : memref<64x128xf32, #tpu.memory_space<vmem>>) offsets(%dma_start3A_64 : memref<64xi32, #tpu.memory_space<vmem>>) semaphore(%arg8 : memref<!tpu.dma_semaphore, #tpu.memory_space<semaphore_mem>>)
    %dma_wait3A = arith.constant 0 : i32
    %dma_wait3A_68 = arith.constant 0 : i32
    %dma_wait3A_69 = tpu.memref_slice %arg7[%dma_wait3A, %dma_wait3A_68] : memref<512x128xf32, #tpu.memory_space<vmem>> -> memref<64x128xf32, #tpu.memory_space<vmem>>
    %dma_wait3A_70 = arith.constant 0 : i32
    %dma_wait3A_71 = tpu.memref_slice %arg6[%dma_wait3A_70] : memref<512xi32, #tpu.memory_space<vmem>> -> memref<64xi32, #tpu.memory_space<vmem>>
    %dma_wait3A_72 = arith.constant 0 : i32
    %dma_wait3A_73 = arith.constant 0 : i32
    %dma_wait3A_74 = tpu.memref_slice %arg5[%dma_wait3A_72, %dma_wait3A_73] : memref<64x128xf32, #tpu.memory_space<vmem_shared>> -> memref<64x128xf32, #tpu.memory_space<vmem_shared>>
    tpu.wait_indirect_dma semaphore(%arg8 : memref<!tpu.dma_semaphore, #tpu.memory_space<semaphore_mem>>) src(%dma_wait3A_74 : memref<64x128xf32, #tpu.memory_space<vmem_shared>>) dst(%dma_wait3A_69 : memref<64x128xf32, #tpu.memory_space<vmem>>)
    %add3A_75 = arith.constant 0 : i32
    %add3A_76 = arith.addi %mul3A_2, %add3A_75 : i32
    %dma_start3A_77 = arith.constant 0 : i32
    %dma_start3A_78 = arith.constant 0 : i32
    %dma_start3A_79 = tpu.memref_slice %arg7[%dma_start3A_77, %dma_start3A_78] : memref<512x128xf32, #tpu.memory_space<vmem>> -> memref<64x128xf32, #tpu.memory_space<vmem>>
    %dma_start3A_80 = arith.constant 0 : i32
    %dma_start3A_81 = tpu.memref_slice %arg4[%add3A_76, %dma_start3A_80] : memref<16384x128xf32, #tpu.memory_space<hbm>> -> memref<64x128xf32, #tpu.memory_space<hbm>>
    %dma_start3A_82 = arith.constant 0 : i32
    %dma_start3A_83 = tpu.memref_slice %arg4[%add3A_76, %dma_start3A_82] : memref<16384x128xf32, #tpu.memory_space<hbm>> -> memref<64x128xf32, #tpu.memory_space<hbm>>
    %dma_start3A_84 = arith.constant 0 : i32
    %dma_start3A_85 = arith.constant 0 : i32
    %dma_start3A_86 = tpu.memref_slice %arg7[%dma_start3A_84, %dma_start3A_85] : memref<512x128xf32, #tpu.memory_space<vmem>> -> memref<64x128xf32, #tpu.memory_space<vmem>>
    tpu.enqueue_dma source(%dma_start3A_86 : memref<64x128xf32, #tpu.memory_space<vmem>>) target(%dma_start3A_83 : memref<64x128xf32, #tpu.memory_space<hbm>>) target_semaphore(%arg9 : memref<!tpu.dma_semaphore, #tpu.memory_space<semaphore_mem>>)
    %dma_wait3A_87 = arith.constant 64 : i32
    %dma_wait3A_88 = arith.constant 0 : i32
    %dma_wait3A_89 = tpu.memref_slice %arg7[%dma_wait3A_87, %dma_wait3A_88] : memref<512x128xf32, #tpu.memory_space<vmem>> -> memref<64x128xf32, #tpu.memory_space<vmem>>
    %dma_wait3A_90 = arith.constant 64 : i32
    %dma_wait3A_91 = tpu.memref_slice %arg6[%dma_wait3A_90] : memref<512xi32, #tpu.memory_space<vmem>> -> memref<64xi32, #tpu.memory_space<vmem>>
    %dma_wait3A_92 = arith.constant 0 : i32
    %dma_wait3A_93 = arith.constant 0 : i32
    %dma_wait3A_94 = tpu.memref_slice %arg5[%dma_wait3A_92, %dma_wait3A_93] : memref<64x128xf32, #tpu.memory_space<vmem_shared>> -> memref<64x128xf32, #tpu.memory_space<vmem_shared>>
    tpu.wait_indirect_dma semaphore(%arg8 : memref<!tpu.dma_semaphore, #tpu.memory_space<semaphore_mem>>) src(%dma_wait3A_94 : memref<64x128xf32, #tpu.memory_space<vmem_shared>>) dst(%dma_wait3A_89 : memref<64x128xf32, #tpu.memory_space<vmem>>)
    %add3A_95 = arith.constant 64 : i32
    %add3A_96 = arith.addi %mul3A_2, %add3A_95 : i32
    %dma_start3A_97 = arith.constant 64 : i32
    %dma_start3A_98 = arith.constant 0 : i32
    %dma_start3A_99 = tpu.memref_slice %arg7[%dma_start3A_97, %dma_start3A_98] : memref<512x128xf32, #tpu.memory_space<vmem>> -> memref<64x128xf32, #tpu.memory_space<vmem>>
    %dma_start3A_100 = arith.constant 0 : i32
    %dma_start3A_101 = tpu.memref_slice %arg4[%add3A_96, %dma_start3A_100] : memref<16384x128xf32, #tpu.memory_space<hbm>> -> memref<64x128xf32, #tpu.memory_space<hbm>>
    %dma_start3A_102 = arith.constant 0 : i32
    %dma_start3A_103 = tpu.memref_slice %arg4[%add3A_96, %dma_start3A_102] : memref<16384x128xf32, #tpu.memory_space<hbm>> -> memref<64x128xf32, #tpu.memory_space<hbm>>
    %dma_start3A_104 = arith.constant 64 : i32
    %dma_start3A_105 = arith.constant 0 : i32
    %dma_start3A_106 = tpu.memref_slice %arg7[%dma_start3A_104, %dma_start3A_105] : memref<512x128xf32, #tpu.memory_space<vmem>> -> memref<64x128xf32, #tpu.memory_space<vmem>>
    tpu.enqueue_dma source(%dma_start3A_106 : memref<64x128xf32, #tpu.memory_space<vmem>>) target(%dma_start3A_103 : memref<64x128xf32, #tpu.memory_space<hbm>>) target_semaphore(%arg9 : memref<!tpu.dma_semaphore, #tpu.memory_space<semaphore_mem>>)
    %dma_wait3A_107 = arith.constant 128 : i32
    %dma_wait3A_108 = arith.constant 0 : i32
    %dma_wait3A_109 = tpu.memref_slice %arg7[%dma_wait3A_107, %dma_wait3A_108] : memref<512x128xf32, #tpu.memory_space<vmem>> -> memref<64x128xf32, #tpu.memory_space<vmem>>
    %dma_wait3A_110 = arith.constant 128 : i32
    %dma_wait3A_111 = tpu.memref_slice %arg6[%dma_wait3A_110] : memref<512xi32, #tpu.memory_space<vmem>> -> memref<64xi32, #tpu.memory_space<vmem>>
    %dma_wait3A_112 = arith.constant 0 : i32
    %dma_wait3A_113 = arith.constant 0 : i32
    %dma_wait3A_114 = tpu.memref_slice %arg5[%dma_wait3A_112, %dma_wait3A_113] : memref<64x128xf32, #tpu.memory_space<vmem_shared>> -> memref<64x128xf32, #tpu.memory_space<vmem_shared>>
    tpu.wait_indirect_dma semaphore(%arg8 : memref<!tpu.dma_semaphore, #tpu.memory_space<semaphore_mem>>) src(%dma_wait3A_114 : memref<64x128xf32, #tpu.memory_space<vmem_shared>>) dst(%dma_wait3A_109 : memref<64x128xf32, #tpu.memory_space<vmem>>)
    %add3A_115 = arith.constant 128 : i32
    %add3A_116 = arith.addi %mul3A_2, %add3A_115 : i32
    %dma_start3A_117 = arith.constant 128 : i32
    %dma_start3A_118 = arith.constant 0 : i32
    %dma_start3A_119 = tpu.memref_slice %arg7[%dma_start3A_117, %dma_start3A_118] : memref<512x128xf32, #tpu.memory_space<vmem>> -> memref<64x128xf32, #tpu.memory_space<vmem>>
    %dma_start3A_120 = arith.constant 0 : i32
    %dma_start3A_121 = tpu.memref_slice %arg4[%add3A_116, %dma_start3A_120] : memref<16384x128xf32, #tpu.memory_space<hbm>> -> memref<64x128xf32, #tpu.memory_space<hbm>>
    %dma_start3A_122 = arith.constant 0 : i32
    %dma_start3A_123 = tpu.memref_slice %arg4[%add3A_116, %dma_start3A_122] : memref<16384x128xf32, #tpu.memory_space<hbm>> -> memref<64x128xf32, #tpu.memory_space<hbm>>
    %dma_start3A_124 = arith.constant 128 : i32
    %dma_start3A_125 = arith.constant 0 : i32
    %dma_start3A_126 = tpu.memref_slice %arg7[%dma_start3A_124, %dma_start3A_125] : memref<512x128xf32, #tpu.memory_space<vmem>> -> memref<64x128xf32, #tpu.memory_space<vmem>>
    tpu.enqueue_dma source(%dma_start3A_126 : memref<64x128xf32, #tpu.memory_space<vmem>>) target(%dma_start3A_123 : memref<64x128xf32, #tpu.memory_space<hbm>>) target_semaphore(%arg9 : memref<!tpu.dma_semaphore, #tpu.memory_space<semaphore_mem>>)
    %dma_wait3A_127 = arith.constant 192 : i32
    %dma_wait3A_128 = arith.constant 0 : i32
    %dma_wait3A_129 = tpu.memref_slice %arg7[%dma_wait3A_127, %dma_wait3A_128] : memref<512x128xf32, #tpu.memory_space<vmem>> -> memref<64x128xf32, #tpu.memory_space<vmem>>
    %dma_wait3A_130 = arith.constant 192 : i32
    %dma_wait3A_131 = tpu.memref_slice %arg6[%dma_wait3A_130] : memref<512xi32, #tpu.memory_space<vmem>> -> memref<64xi32, #tpu.memory_space<vmem>>
    %dma_wait3A_132 = arith.constant 0 : i32
    %dma_wait3A_133 = arith.constant 0 : i32
    %dma_wait3A_134 = tpu.memref_slice %arg5[%dma_wait3A_132, %dma_wait3A_133] : memref<64x128xf32, #tpu.memory_space<vmem_shared>> -> memref<64x128xf32, #tpu.memory_space<vmem_shared>>
    tpu.wait_indirect_dma semaphore(%arg8 : memref<!tpu.dma_semaphore, #tpu.memory_space<semaphore_mem>>) src(%dma_wait3A_134 : memref<64x128xf32, #tpu.memory_space<vmem_shared>>) dst(%dma_wait3A_129 : memref<64x128xf32, #tpu.memory_space<vmem>>)
    %add3A_135 = arith.constant 192 : i32
    %add3A_136 = arith.addi %mul3A_2, %add3A_135 : i32
    %dma_start3A_137 = arith.constant 192 : i32
    %dma_start3A_138 = arith.constant 0 : i32
    %dma_start3A_139 = tpu.memref_slice %arg7[%dma_start3A_137, %dma_start3A_138] : memref<512x128xf32, #tpu.memory_space<vmem>> -> memref<64x128xf32, #tpu.memory_space<vmem>>
    %dma_start3A_140 = arith.constant 0 : i32
    %dma_start3A_141 = tpu.memref_slice %arg4[%add3A_136, %dma_start3A_140] : memref<16384x128xf32, #tpu.memory_space<hbm>> -> memref<64x128xf32, #tpu.memory_space<hbm>>
    %dma_start3A_142 = arith.constant 0 : i32
    %dma_start3A_143 = tpu.memref_slice %arg4[%add3A_136, %dma_start3A_142] : memref<16384x128xf32, #tpu.memory_space<hbm>> -> memref<64x128xf32, #tpu.memory_space<hbm>>
    %dma_start3A_144 = arith.constant 192 : i32
    %dma_start3A_145 = arith.constant 0 : i32
    %dma_start3A_146 = tpu.memref_slice %arg7[%dma_start3A_144, %dma_start3A_145] : memref<512x128xf32, #tpu.memory_space<vmem>> -> memref<64x128xf32, #tpu.memory_space<vmem>>
    tpu.enqueue_dma source(%dma_start3A_146 : memref<64x128xf32, #tpu.memory_space<vmem>>) target(%dma_start3A_143 : memref<64x128xf32, #tpu.memory_space<hbm>>) target_semaphore(%arg9 : memref<!tpu.dma_semaphore, #tpu.memory_space<semaphore_mem>>)
    %dma_wait3A_147 = arith.constant 256 : i32
    %dma_wait3A_148 = arith.constant 0 : i32
    %dma_wait3A_149 = tpu.memref_slice %arg7[%dma_wait3A_147, %dma_wait3A_148] : memref<512x128xf32, #tpu.memory_space<vmem>> -> memref<64x128xf32, #tpu.memory_space<vmem>>
    %dma_wait3A_150 = arith.constant 256 : i32
    %dma_wait3A_151 = tpu.memref_slice %arg6[%dma_wait3A_150] : memref<512xi32, #tpu.memory_space<vmem>> -> memref<64xi32, #tpu.memory_space<vmem>>
    %dma_wait3A_152 = arith.constant 0 : i32
    %dma_wait3A_153 = arith.constant 0 : i32
    %dma_wait3A_154 = tpu.memref_slice %arg5[%dma_wait3A_152, %dma_wait3A_153] : memref<64x128xf32, #tpu.memory_space<vmem_shared>> -> memref<64x128xf32, #tpu.memory_space<vmem_shared>>
    tpu.wait_indirect_dma semaphore(%arg8 : memref<!tpu.dma_semaphore, #tpu.memory_space<semaphore_mem>>) src(%dma_wait3A_154 : memref<64x128xf32, #tpu.memory_space<vmem_shared>>) dst(%dma_wait3A_149 : memref<64x128xf32, #tpu.memory_space<vmem>>)
    %add3A_155 = arith.constant 256 : i32
    %add3A_156 = arith.addi %mul3A_2, %add3A_155 : i32
    %dma_start3A_157 = arith.constant 256 : i32
    %dma_start3A_158 = arith.constant 0 : i32
    %dma_start3A_159 = tpu.memref_slice %arg7[%dma_start3A_157, %dma_start3A_158] : memref<512x128xf32, #tpu.memory_space<vmem>> -> memref<64x128xf32, #tpu.memory_space<vmem>>
    %dma_start3A_160 = arith.constant 0 : i32
    %dma_start3A_161 = tpu.memref_slice %arg4[%add3A_156, %dma_start3A_160] : memref<16384x128xf32, #tpu.memory_space<hbm>> -> memref<64x128xf32, #tpu.memory_space<hbm>>
    %dma_start3A_162 = arith.constant 0 : i32
    %dma_start3A_163 = tpu.memref_slice %arg4[%add3A_156, %dma_start3A_162] : memref<16384x128xf32, #tpu.memory_space<hbm>> -> memref<64x128xf32, #tpu.memory_space<hbm>>
    %dma_start3A_164 = arith.constant 256 : i32
    %dma_start3A_165 = arith.constant 0 : i32
    %dma_start3A_166 = tpu.memref_slice %arg7[%dma_start3A_164, %dma_start3A_165] : memref<512x128xf32, #tpu.memory_space<vmem>> -> memref<64x128xf32, #tpu.memory_space<vmem>>
    tpu.enqueue_dma source(%dma_start3A_166 : memref<64x128xf32, #tpu.memory_space<vmem>>) target(%dma_start3A_163 : memref<64x128xf32, #tpu.memory_space<hbm>>) target_semaphore(%arg9 : memref<!tpu.dma_semaphore, #tpu.memory_space<semaphore_mem>>)
    %dma_wait3A_167 = arith.constant 320 : i32
    %dma_wait3A_168 = arith.constant 0 : i32
    %dma_wait3A_169 = tpu.memref_slice %arg7[%dma_wait3A_167, %dma_wait3A_168] : memref<512x128xf32, #tpu.memory_space<vmem>> -> memref<64x128xf32, #tpu.memory_space<vmem>>
    %dma_wait3A_170 = arith.constant 320 : i32
    %dma_wait3A_171 = tpu.memref_slice %arg6[%dma_wait3A_170] : memref<512xi32, #tpu.memory_space<vmem>> -> memref<64xi32, #tpu.memory_space<vmem>>
    %dma_wait3A_172 = arith.constant 0 : i32
    %dma_wait3A_173 = arith.constant 0 : i32
    %dma_wait3A_174 = tpu.memref_slice %arg5[%dma_wait3A_172, %dma_wait3A_173] : memref<64x128xf32, #tpu.memory_space<vmem_shared>> -> memref<64x128xf32, #tpu.memory_space<vmem_shared>>
    tpu.wait_indirect_dma semaphore(%arg8 : memref<!tpu.dma_semaphore, #tpu.memory_space<semaphore_mem>>) src(%dma_wait3A_174 : memref<64x128xf32, #tpu.memory_space<vmem_shared>>) dst(%dma_wait3A_169 : memref<64x128xf32, #tpu.memory_space<vmem>>)
    %add3A_175 = arith.constant 320 : i32
    %add3A_176 = arith.addi %mul3A_2, %add3A_175 : i32
    %dma_start3A_177 = arith.constant 320 : i32
    %dma_start3A_178 = arith.constant 0 : i32
    %dma_start3A_179 = tpu.memref_slice %arg7[%dma_start3A_177, %dma_start3A_178] : memref<512x128xf32, #tpu.memory_space<vmem>> -> memref<64x128xf32, #tpu.memory_space<vmem>>
    %dma_start3A_180 = arith.constant 0 : i32
    %dma_start3A_181 = tpu.memref_slice %arg4[%add3A_176, %dma_start3A_180] : memref<16384x128xf32, #tpu.memory_space<hbm>> -> memref<64x128xf32, #tpu.memory_space<hbm>>
    %dma_start3A_182 = arith.constant 0 : i32
    %dma_start3A_183 = tpu.memref_slice %arg4[%add3A_176, %dma_start3A_182] : memref<16384x128xf32, #tpu.memory_space<hbm>> -> memref<64x128xf32, #tpu.memory_space<hbm>>
    %dma_start3A_184 = arith.constant 320 : i32
    %dma_start3A_185 = arith.constant 0 : i32
    %dma_start3A_186 = tpu.memref_slice %arg7[%dma_start3A_184, %dma_start3A_185] : memref<512x128xf32, #tpu.memory_space<vmem>> -> memref<64x128xf32, #tpu.memory_space<vmem>>
    tpu.enqueue_dma source(%dma_start3A_186 : memref<64x128xf32, #tpu.memory_space<vmem>>) target(%dma_start3A_183 : memref<64x128xf32, #tpu.memory_space<hbm>>) target_semaphore(%arg9 : memref<!tpu.dma_semaphore, #tpu.memory_space<semaphore_mem>>)
    %dma_wait3A_187 = arith.constant 384 : i32
    %dma_wait3A_188 = arith.constant 0 : i32
    %dma_wait3A_189 = tpu.memref_slice %arg7[%dma_wait3A_187, %dma_wait3A_188] : memref<512x128xf32, #tpu.memory_space<vmem>> -> memref<64x128xf32, #tpu.memory_space<vmem>>
    %dma_wait3A_190 = arith.constant 384 : i32
    %dma_wait3A_191 = tpu.memref_slice %arg6[%dma_wait3A_190] : memref<512xi32, #tpu.memory_space<vmem>> -> memref<64xi32, #tpu.memory_space<vmem>>
    %dma_wait3A_192 = arith.constant 0 : i32
    %dma_wait3A_193 = arith.constant 0 : i32
    %dma_wait3A_194 = tpu.memref_slice %arg5[%dma_wait3A_192, %dma_wait3A_193] : memref<64x128xf32, #tpu.memory_space<vmem_shared>> -> memref<64x128xf32, #tpu.memory_space<vmem_shared>>
    tpu.wait_indirect_dma semaphore(%arg8 : memref<!tpu.dma_semaphore, #tpu.memory_space<semaphore_mem>>) src(%dma_wait3A_194 : memref<64x128xf32, #tpu.memory_space<vmem_shared>>) dst(%dma_wait3A_189 : memref<64x128xf32, #tpu.memory_space<vmem>>)
    %add3A_195 = arith.constant 384 : i32
    %add3A_196 = arith.addi %mul3A_2, %add3A_195 : i32
    %dma_start3A_197 = arith.constant 384 : i32
    %dma_start3A_198 = arith.constant 0 : i32
    %dma_start3A_199 = tpu.memref_slice %arg7[%dma_start3A_197, %dma_start3A_198] : memref<512x128xf32, #tpu.memory_space<vmem>> -> memref<64x128xf32, #tpu.memory_space<vmem>>
    %dma_start3A_200 = arith.constant 0 : i32
    %dma_start3A_201 = tpu.memref_slice %arg4[%add3A_196, %dma_start3A_200] : memref<16384x128xf32, #tpu.memory_space<hbm>> -> memref<64x128xf32, #tpu.memory_space<hbm>>
    %dma_start3A_202 = arith.constant 0 : i32
    %dma_start3A_203 = tpu.memref_slice %arg4[%add3A_196, %dma_start3A_202] : memref<16384x128xf32, #tpu.memory_space<hbm>> -> memref<64x128xf32, #tpu.memory_space<hbm>>
    %dma_start3A_204 = arith.constant 384 : i32
    %dma_start3A_205 = arith.constant 0 : i32
    %dma_start3A_206 = tpu.memref_slice %arg7[%dma_start3A_204, %dma_start3A_205] : memref<512x128xf32, #tpu.memory_space<vmem>> -> memref<64x128xf32, #tpu.memory_space<vmem>>
    tpu.enqueue_dma source(%dma_start3A_206 : memref<64x128xf32, #tpu.memory_space<vmem>>) target(%dma_start3A_203 : memref<64x128xf32, #tpu.memory_space<hbm>>) target_semaphore(%arg9 : memref<!tpu.dma_semaphore, #tpu.memory_space<semaphore_mem>>)
    %dma_wait3A_207 = arith.constant 448 : i32
    %dma_wait3A_208 = arith.constant 0 : i32
    %dma_wait3A_209 = tpu.memref_slice %arg7[%dma_wait3A_207, %dma_wait3A_208] : memref<512x128xf32, #tpu.memory_space<vmem>> -> memref<64x128xf32, #tpu.memory_space<vmem>>
    %dma_wait3A_210 = arith.constant 448 : i32
    %dma_wait3A_211 = tpu.memref_slice %arg6[%dma_wait3A_210] : memref<512xi32, #tpu.memory_space<vmem>> -> memref<64xi32, #tpu.memory_space<vmem>>
    %dma_wait3A_212 = arith.constant 0 : i32
    %dma_wait3A_213 = arith.constant 0 : i32
    %dma_wait3A_214 = tpu.memref_slice %arg5[%dma_wait3A_212, %dma_wait3A_213] : memref<64x128xf32, #tpu.memory_space<vmem_shared>> -> memref<64x128xf32, #tpu.memory_space<vmem_shared>>
    tpu.wait_indirect_dma semaphore(%arg8 : memref<!tpu.dma_semaphore, #tpu.memory_space<semaphore_mem>>) src(%dma_wait3A_214 : memref<64x128xf32, #tpu.memory_space<vmem_shared>>) dst(%dma_wait3A_209 : memref<64x128xf32, #tpu.memory_space<vmem>>)
    %add3A_215 = arith.constant 448 : i32
    %add3A_216 = arith.addi %mul3A_2, %add3A_215 : i32
    %dma_start3A_217 = arith.constant 448 : i32
    %dma_start3A_218 = arith.constant 0 : i32
    %dma_start3A_219 = tpu.memref_slice %arg7[%dma_start3A_217, %dma_start3A_218] : memref<512x128xf32, #tpu.memory_space<vmem>> -> memref<64x128xf32, #tpu.memory_space<vmem>>
    %dma_start3A_220 = arith.constant 0 : i32
    %dma_start3A_221 = tpu.memref_slice %arg4[%add3A_216, %dma_start3A_220] : memref<16384x128xf32, #tpu.memory_space<hbm>> -> memref<64x128xf32, #tpu.memory_space<hbm>>
    %dma_start3A_222 = arith.constant 0 : i32
    %dma_start3A_223 = tpu.memref_slice %arg4[%add3A_216, %dma_start3A_222] : memref<16384x128xf32, #tpu.memory_space<hbm>> -> memref<64x128xf32, #tpu.memory_space<hbm>>
    %dma_start3A_224 = arith.constant 448 : i32
    %dma_start3A_225 = arith.constant 0 : i32
    %dma_start3A_226 = tpu.memref_slice %arg7[%dma_start3A_224, %dma_start3A_225] : memref<512x128xf32, #tpu.memory_space<vmem>> -> memref<64x128xf32, #tpu.memory_space<vmem>>
    tpu.enqueue_dma source(%dma_start3A_226 : memref<64x128xf32, #tpu.memory_space<vmem>>) target(%dma_start3A_223 : memref<64x128xf32, #tpu.memory_space<hbm>>) target_semaphore(%arg9 : memref<!tpu.dma_semaphore, #tpu.memory_space<semaphore_mem>>)
    %dma_wait3A_227 = arith.constant 0 : i32
    %dma_wait3A_228 = arith.constant 0 : i32
    %dma_wait3A_229 = tpu.memref_slice %arg7[%dma_wait3A_227, %dma_wait3A_228] : memref<512x128xf32, #tpu.memory_space<vmem>> -> memref<64x128xf32, #tpu.memory_space<vmem>>
    %dma_wait3A_230 = arith.constant 0 : i32
    %dma_wait3A_231 = tpu.memref_slice %arg4[%add3A_76, %dma_wait3A_230] : memref<16384x128xf32, #tpu.memory_space<hbm>> -> memref<64x128xf32, #tpu.memory_space<hbm>>
    %dma_wait3A_232 = arith.constant 0 : i32
    %dma_wait3A_233 = tpu.memref_slice %arg4[%add3A_76, %dma_wait3A_232] : memref<16384x128xf32, #tpu.memory_space<hbm>> -> memref<64x128xf32, #tpu.memory_space<hbm>>
    %dma_wait3A_234 = arith.constant 0 : i32
    %dma_wait3A_235 = arith.constant 0 : i32
    %dma_wait3A_236 = tpu.memref_slice %arg7[%dma_wait3A_234, %dma_wait3A_235] : memref<512x128xf32, #tpu.memory_space<vmem>> -> memref<64x128xf32, #tpu.memory_space<vmem>>
    tpu.wait_dma2 semaphore(%arg9 : memref<!tpu.dma_semaphore, #tpu.memory_space<semaphore_mem>>) src(%dma_wait3A_236 : memref<64x128xf32, #tpu.memory_space<vmem>>) dst(%dma_wait3A_233 : memref<64x128xf32, #tpu.memory_space<hbm>>)
    %dma_wait3A_237 = arith.constant 64 : i32
    %dma_wait3A_238 = arith.constant 0 : i32
    %dma_wait3A_239 = tpu.memref_slice %arg7[%dma_wait3A_237, %dma_wait3A_238] : memref<512x128xf32, #tpu.memory_space<vmem>> -> memref<64x128xf32, #tpu.memory_space<vmem>>
    %dma_wait3A_240 = arith.constant 0 : i32
    %dma_wait3A_241 = tpu.memref_slice %arg4[%add3A_96, %dma_wait3A_240] : memref<16384x128xf32, #tpu.memory_space<hbm>> -> memref<64x128xf32, #tpu.memory_space<hbm>>
    %dma_wait3A_242 = arith.constant 0 : i32
    %dma_wait3A_243 = tpu.memref_slice %arg4[%add3A_96, %dma_wait3A_242] : memref<16384x128xf32, #tpu.memory_space<hbm>> -> memref<64x128xf32, #tpu.memory_space<hbm>>
    %dma_wait3A_244 = arith.constant 64 : i32
    %dma_wait3A_245 = arith.constant 0 : i32
    %dma_wait3A_246 = tpu.memref_slice %arg7[%dma_wait3A_244, %dma_wait3A_245] : memref<512x128xf32, #tpu.memory_space<vmem>> -> memref<64x128xf32, #tpu.memory_space<vmem>>
    tpu.wait_dma2 semaphore(%arg9 : memref<!tpu.dma_semaphore, #tpu.memory_space<semaphore_mem>>) src(%dma_wait3A_246 : memref<64x128xf32, #tpu.memory_space<vmem>>) dst(%dma_wait3A_243 : memref<64x128xf32, #tpu.memory_space<hbm>>)
    %dma_wait3A_247 = arith.constant 128 : i32
    %dma_wait3A_248 = arith.constant 0 : i32
    %dma_wait3A_249 = tpu.memref_slice %arg7[%dma_wait3A_247, %dma_wait3A_248] : memref<512x128xf32, #tpu.memory_space<vmem>> -> memref<64x128xf32, #tpu.memory_space<vmem>>
    %dma_wait3A_250 = arith.constant 0 : i32
    %dma_wait3A_251 = tpu.memref_slice %arg4[%add3A_116, %dma_wait3A_250] : memref<16384x128xf32, #tpu.memory_space<hbm>> -> memref<64x128xf32, #tpu.memory_space<hbm>>
    %dma_wait3A_252 = arith.constant 0 : i32
    %dma_wait3A_253 = tpu.memref_slice %arg4[%add3A_116, %dma_wait3A_252] : memref<16384x128xf32, #tpu.memory_space<hbm>> -> memref<64x128xf32, #tpu.memory_space<hbm>>
    %dma_wait3A_254 = arith.constant 128 : i32
    %dma_wait3A_255 = arith.constant 0 : i32
    %dma_wait3A_256 = tpu.memref_slice %arg7[%dma_wait3A_254, %dma_wait3A_255] : memref<512x128xf32, #tpu.memory_space<vmem>> -> memref<64x128xf32, #tpu.memory_space<vmem>>
    tpu.wait_dma2 semaphore(%arg9 : memref<!tpu.dma_semaphore, #tpu.memory_space<semaphore_mem>>) src(%dma_wait3A_256 : memref<64x128xf32, #tpu.memory_space<vmem>>) dst(%dma_wait3A_253 : memref<64x128xf32, #tpu.memory_space<hbm>>)
    %dma_wait3A_257 = arith.constant 192 : i32
    %dma_wait3A_258 = arith.constant 0 : i32
    %dma_wait3A_259 = tpu.memref_slice %arg7[%dma_wait3A_257, %dma_wait3A_258] : memref<512x128xf32, #tpu.memory_space<vmem>> -> memref<64x128xf32, #tpu.memory_space<vmem>>
    %dma_wait3A_260 = arith.constant 0 : i32
    %dma_wait3A_261 = tpu.memref_slice %arg4[%add3A_136, %dma_wait3A_260] : memref<16384x128xf32, #tpu.memory_space<hbm>> -> memref<64x128xf32, #tpu.memory_space<hbm>>
    %dma_wait3A_262 = arith.constant 0 : i32
    %dma_wait3A_263 = tpu.memref_slice %arg4[%add3A_136, %dma_wait3A_262] : memref<16384x128xf32, #tpu.memory_space<hbm>> -> memref<64x128xf32, #tpu.memory_space<hbm>>
    %dma_wait3A_264 = arith.constant 192 : i32
    %dma_wait3A_265 = arith.constant 0 : i32
    %dma_wait3A_266 = tpu.memref_slice %arg7[%dma_wait3A_264, %dma_wait3A_265] : memref<512x128xf32, #tpu.memory_space<vmem>> -> memref<64x128xf32, #tpu.memory_space<vmem>>
    tpu.wait_dma2 semaphore(%arg9 : memref<!tpu.dma_semaphore, #tpu.memory_space<semaphore_mem>>) src(%dma_wait3A_266 : memref<64x128xf32, #tpu.memory_space<vmem>>) dst(%dma_wait3A_263 : memref<64x128xf32, #tpu.memory_space<hbm>>)
    %dma_wait3A_267 = arith.constant 256 : i32
    %dma_wait3A_268 = arith.constant 0 : i32
    %dma_wait3A_269 = tpu.memref_slice %arg7[%dma_wait3A_267, %dma_wait3A_268] : memref<512x128xf32, #tpu.memory_space<vmem>> -> memref<64x128xf32, #tpu.memory_space<vmem>>
    %dma_wait3A_270 = arith.constant 0 : i32
    %dma_wait3A_271 = tpu.memref_slice %arg4[%add3A_156, %dma_wait3A_270] : memref<16384x128xf32, #tpu.memory_space<hbm>> -> memref<64x128xf32, #tpu.memory_space<hbm>>
    %dma_wait3A_272 = arith.constant 0 : i32
    %dma_wait3A_273 = tpu.memref_slice %arg4[%add3A_156, %dma_wait3A_272] : memref<16384x128xf32, #tpu.memory_space<hbm>> -> memref<64x128xf32, #tpu.memory_space<hbm>>
    %dma_wait3A_274 = arith.constant 256 : i32
    %dma_wait3A_275 = arith.constant 0 : i32
    %dma_wait3A_276 = tpu.memref_slice %arg7[%dma_wait3A_274, %dma_wait3A_275] : memref<512x128xf32, #tpu.memory_space<vmem>> -> memref<64x128xf32, #tpu.memory_space<vmem>>
    tpu.wait_dma2 semaphore(%arg9 : memref<!tpu.dma_semaphore, #tpu.memory_space<semaphore_mem>>) src(%dma_wait3A_276 : memref<64x128xf32, #tpu.memory_space<vmem>>) dst(%dma_wait3A_273 : memref<64x128xf32, #tpu.memory_space<hbm>>)
    %dma_wait3A_277 = arith.constant 320 : i32
    %dma_wait3A_278 = arith.constant 0 : i32
    %dma_wait3A_279 = tpu.memref_slice %arg7[%dma_wait3A_277, %dma_wait3A_278] : memref<512x128xf32, #tpu.memory_space<vmem>> -> memref<64x128xf32, #tpu.memory_space<vmem>>
    %dma_wait3A_280 = arith.constant 0 : i32
    %dma_wait3A_281 = tpu.memref_slice %arg4[%add3A_176, %dma_wait3A_280] : memref<16384x128xf32, #tpu.memory_space<hbm>> -> memref<64x128xf32, #tpu.memory_space<hbm>>
    %dma_wait3A_282 = arith.constant 0 : i32
    %dma_wait3A_283 = tpu.memref_slice %arg4[%add3A_176, %dma_wait3A_282] : memref<16384x128xf32, #tpu.memory_space<hbm>> -> memref<64x128xf32, #tpu.memory_space<hbm>>
    %dma_wait3A_284 = arith.constant 320 : i32
    %dma_wait3A_285 = arith.constant 0 : i32
    %dma_wait3A_286 = tpu.memref_slice %arg7[%dma_wait3A_284, %dma_wait3A_285] : memref<512x128xf32, #tpu.memory_space<vmem>> -> memref<64x128xf32, #tpu.memory_space<vmem>>
    tpu.wait_dma2 semaphore(%arg9 : memref<!tpu.dma_semaphore, #tpu.memory_space<semaphore_mem>>) src(%dma_wait3A_286 : memref<64x128xf32, #tpu.memory_space<vmem>>) dst(%dma_wait3A_283 : memref<64x128xf32, #tpu.memory_space<hbm>>)
    %dma_wait3A_287 = arith.constant 384 : i32
    %dma_wait3A_288 = arith.constant 0 : i32
    %dma_wait3A_289 = tpu.memref_slice %arg7[%dma_wait3A_287, %dma_wait3A_288] : memref<512x128xf32, #tpu.memory_space<vmem>> -> memref<64x128xf32, #tpu.memory_space<vmem>>
    %dma_wait3A_290 = arith.constant 0 : i32
    %dma_wait3A_291 = tpu.memref_slice %arg4[%add3A_196, %dma_wait3A_290] : memref<16384x128xf32, #tpu.memory_space<hbm>> -> memref<64x128xf32, #tpu.memory_space<hbm>>
    %dma_wait3A_292 = arith.constant 0 : i32
    %dma_wait3A_293 = tpu.memref_slice %arg4[%add3A_196, %dma_wait3A_292] : memref<16384x128xf32, #tpu.memory_space<hbm>> -> memref<64x128xf32, #tpu.memory_space<hbm>>
    %dma_wait3A_294 = arith.constant 384 : i32
    %dma_wait3A_295 = arith.constant 0 : i32
    %dma_wait3A_296 = tpu.memref_slice %arg7[%dma_wait3A_294, %dma_wait3A_295] : memref<512x128xf32, #tpu.memory_space<vmem>> -> memref<64x128xf32, #tpu.memory_space<vmem>>
    tpu.wait_dma2 semaphore(%arg9 : memref<!tpu.dma_semaphore, #tpu.memory_space<semaphore_mem>>) src(%dma_wait3A_296 : memref<64x128xf32, #tpu.memory_space<vmem>>) dst(%dma_wait3A_293 : memref<64x128xf32, #tpu.memory_space<hbm>>)
    %dma_wait3A_297 = arith.constant 448 : i32
    %dma_wait3A_298 = arith.constant 0 : i32
    %dma_wait3A_299 = tpu.memref_slice %arg7[%dma_wait3A_297, %dma_wait3A_298] : memref<512x128xf32, #tpu.memory_space<vmem>> -> memref<64x128xf32, #tpu.memory_space<vmem>>
    %dma_wait3A_300 = arith.constant 0 : i32
    %dma_wait3A_301 = tpu.memref_slice %arg4[%add3A_216, %dma_wait3A_300] : memref<16384x128xf32, #tpu.memory_space<hbm>> -> memref<64x128xf32, #tpu.memory_space<hbm>>
    %dma_wait3A_302 = arith.constant 0 : i32
    %dma_wait3A_303 = tpu.memref_slice %arg4[%add3A_216, %dma_wait3A_302] : memref<16384x128xf32, #tpu.memory_space<hbm>> -> memref<64x128xf32, #tpu.memory_space<hbm>>
    %dma_wait3A_304 = arith.constant 448 : i32
    %dma_wait3A_305 = arith.constant 0 : i32
    %dma_wait3A_306 = tpu.memref_slice %arg7[%dma_wait3A_304, %dma_wait3A_305] : memref<512x128xf32, #tpu.memory_space<vmem>> -> memref<64x128xf32, #tpu.memory_space<vmem>>
    tpu.wait_dma2 semaphore(%arg9 : memref<!tpu.dma_semaphore, #tpu.memory_space<semaphore_mem>>) src(%dma_wait3A_306 : memref<64x128xf32, #tpu.memory_space<vmem>>) dst(%dma_wait3A_303 : memref<64x128xf32, #tpu.memory_space<hbm>>)
    return
  }
}

module attributes {stable_mosaic.version = 14 : i64} {
  func.func @_table_body(%arg0: memref<64x128xf32, #tpu.memory_space<vmem>>, %arg1: memref<8x128xf32, #tpu.memory_space<vmem>>, %arg2: memref<8x128xf32, #tpu.memory_space<vmem>>, %arg3: memref<8x128xf32, #tpu.memory_space<vmem>>, %arg4: memref<384x128xf32, #tpu.memory_space<vmem>>, %arg5: memref<1x128xf32, #tpu.memory_space<vmem>>, %arg6: memref<128x128xf32, #tpu.memory_space<vmem>>, %arg7: memref<1x128xf32, #tpu.memory_space<vmem>>, %arg8: memref<128x128xf32, #tpu.memory_space<vmem>>, %arg9: memref<1x128xf32, #tpu.memory_space<vmem>>, %arg10: memref<128x128xf32, #tpu.memory_space<vmem>>, %arg11: memref<1x128xf32, #tpu.memory_space<vmem>>, %arg12: memref<128x128xf32, #tpu.memory_space<vmem>>, %arg13: memref<1x128xf32, #tpu.memory_space<vmem>>, %arg14: memref<64x128xf32, #tpu.memory_space<vmem>>) attributes {dimension_semantics = [], scalar_prefetch = 0 : i64, scratch_operands = 0 : i64, tpu.core_type = #tpu.core_type<tc>} {
    %iota3A = tpu.iota {dimensions = array<i32: 0>} : vector<64x1xi32>
    %jit3A = arith.constant 8 : i32
    %eq3A = arith.constant 0 : i32
    %eq3A_0 = arith.cmpi eq, %jit3A, %eq3A : i32
    %jit3A_1 = arith.constant 1 : i32
    %select_n3A = arith.select %eq3A_0, %jit3A_1, %jit3A : i32
    %rem3A = vector.broadcast %select_n3A : i32 to vector<64x1xi32>
    %rem3A_2 = arith.remsi %iota3A, %rem3A : vector<64x1xi32>
    %ne3A = arith.constant 0 : i32
    %ne3A_3 = vector.broadcast %ne3A : i32 to vector<64x1xi32>
    %ne3A_4 = arith.cmpi ne, %rem3A_2, %ne3A_3 : vector<64x1xi32>
    %lt3A = arith.constant 0 : i32
    %lt3A_5 = vector.broadcast %lt3A : i32 to vector<64x1xi32>
    %lt3A_6 = arith.cmpi slt, %rem3A_2, %lt3A_5 : vector<64x1xi32>
    %lt3A_7 = arith.constant 0 : i32
    %lt3A_8 = arith.cmpi slt, %select_n3A, %lt3A_7 : i32
    %ne3A_9 = vector.broadcast %lt3A_8 : i1 to vector<64x1xi1>
    %ne3A_10 = vector.broadcast %ne3A_9 : vector<64x1xi1> to vector<64x1xi1>
    %ne3A_11 = arith.xori %lt3A_6, %ne3A_10 : vector<64x1xi1>
    %and3A = arith.andi %ne3A_11, %ne3A_4 : vector<64x1xi1>
    %add3A = vector.broadcast %select_n3A : i32 to vector<64x1xi32>
    %add3A_12 = arith.addi %rem3A_2, %add3A : vector<64x1xi32>
    %select_n3A_13 = arith.select %and3A, %add3A_12, %rem3A_2 : vector<64x1xi1>, vector<64x1xi32>
    %sub3A = arith.constant 7 : i32
    %sub3A_14 = vector.broadcast %sub3A : i32 to vector<64x1xi32>
    %sub3A_15 = arith.subi %sub3A_14, %select_n3A_13 : vector<64x1xi32>
    %jit3A_16 = arith.constant 8 : i32
    %div3A = vector.broadcast %jit3A_16 : i32 to vector<64x1xi32>
    %div3A_17 = arith.divsi %iota3A, %div3A : vector<64x1xi32>
    %sign3A = arith.constant 0 : i32
    %sign3A_18 = vector.broadcast %sign3A : i32 to vector<64x1xi32>
    %sign3A_19 = arith.cmpi sgt, %iota3A, %sign3A_18 : vector<64x1xi32>
    %sign3A_20 = arith.extui %sign3A_19 : vector<64x1xi1> to vector<64x1xi32>
    %sign3A_21 = arith.constant 0 : i32
    %sign3A_22 = vector.broadcast %sign3A_21 : i32 to vector<64x1xi32>
    %sign3A_23 = arith.cmpi slt, %iota3A, %sign3A_22 : vector<64x1xi32>
    %sign3A_24 = arith.extui %sign3A_23 : vector<64x1xi1> to vector<64x1xi32>
    %sign3A_25 = arith.subi %sign3A_20, %sign3A_24 : vector<64x1xi32>
    %sign3A_26 = arith.constant 0 : i32
    %sign3A_27 = arith.cmpi sgt, %jit3A_16, %sign3A_26 : i32
    %sign3A_28 = arith.extui %sign3A_27 : i1 to i32
    %sign3A_29 = arith.constant 0 : i32
    %sign3A_30 = arith.cmpi slt, %jit3A_16, %sign3A_29 : i32
    %sign3A_31 = arith.extui %sign3A_30 : i1 to i32
    %sign3A_32 = arith.subi %sign3A_28, %sign3A_31 : i32
    %ne3A_33 = vector.broadcast %sign3A_32 : i32 to vector<64x1xi32>
    %ne3A_34 = arith.cmpi ne, %sign3A_25, %ne3A_33 : vector<64x1xi32>
    %rem3A_35 = vector.broadcast %jit3A_16 : i32 to vector<64x1xi32>
    %rem3A_36 = arith.remsi %iota3A, %rem3A_35 : vector<64x1xi32>
    %ne3A_37 = arith.constant 0 : i32
    %ne3A_38 = vector.broadcast %ne3A_37 : i32 to vector<64x1xi32>
    %ne3A_39 = arith.cmpi ne, %rem3A_36, %ne3A_38 : vector<64x1xi32>
    %and3A_40 = arith.andi %ne3A_34, %ne3A_39 : vector<64x1xi1>
    %sub3A_41 = arith.constant 1 : i32
    %sub3A_42 = vector.broadcast %sub3A_41 : i32 to vector<64x1xi32>
    %sub3A_43 = arith.subi %div3A_17, %sub3A_42 : vector<64x1xi32>
    %select_n3A_44 = arith.select %and3A_40, %sub3A_43, %div3A_17 : vector<64x1xi1>, vector<64x1xi32>
    %broadcast_in_dim3A = arith.constant 0.000000e+00 : f32
    %broadcast_in_dim3A_45 = vector.broadcast %broadcast_in_dim3A : f32 to vector<64x128xf32>
    %broadcast_in_dim3A_46 = arith.constant 0.000000e+00 : f32
    %broadcast_in_dim3A_47 = vector.broadcast %broadcast_in_dim3A_46 : f32 to vector<64x128xf32>
    %broadcast_in_dim3A_48 = arith.constant 0.000000e+00 : f32
    %broadcast_in_dim3A_49 = vector.broadcast %broadcast_in_dim3A_48 : f32 to vector<64x128xf32>
    %eq3A_50 = arith.constant 0 : i32
    %eq3A_51 = vector.broadcast %eq3A_50 : i32 to vector<64x1xi32>
    %eq3A_52 = arith.cmpi eq, %select_n3A_13, %eq3A_51 : vector<64x1xi32>
    %jit3A_53 = arith.constant 1.000000e+00 : f32
    %jit3A_54 = arith.constant 0.000000e+00 : f32
    %broadcast_in_dim3A_55 = vector.broadcast %jit3A_53 : f32 to vector<64x1xf32>
    %broadcast_in_dim3A_56 = vector.broadcast %jit3A_54 : f32 to vector<64x1xf32>
    %select_n3A_57 = arith.select %eq3A_52, %broadcast_in_dim3A_55, %broadcast_in_dim3A_56 : vector<64x1xi1>, vector<64x1xf32>
    %get3A = arith.constant 0 : index
    %get3A_58 = arith.constant 0 : index
    %get3A_59 = vector.load %arg1[%get3A, %get3A_58] : memref<8x128xf32, #tpu.memory_space<vmem>>, vector<1x128xf32>
    %get3A_60 = vector.shape_cast %get3A_59 : vector<1x128xf32> to vector<128xf32>
    %broadcast_in_dim3A_61 = vector.shape_cast %get3A_60 : vector<128xf32> to vector<1x128xf32>
    %mul3A = vector.broadcast %select_n3A_57 : vector<64x1xf32> to vector<64x128xf32>
    %mul3A_62 = vector.broadcast %broadcast_in_dim3A_61 : vector<1x128xf32> to vector<64x128xf32>
    %mul3A_63 = arith.mulf %mul3A, %mul3A_62 : vector<64x128xf32>
    %add3A_64 = arith.addf %broadcast_in_dim3A_45, %mul3A_63 : vector<64x128xf32>
    %eq3A_65 = arith.constant 0 : i32
    %eq3A_66 = vector.broadcast %eq3A_65 : i32 to vector<64x1xi32>
    %eq3A_67 = arith.cmpi eq, %sub3A_15, %eq3A_66 : vector<64x1xi32>
    %jit3A_68 = arith.constant 1.000000e+00 : f32
    %jit3A_69 = arith.constant 0.000000e+00 : f32
    %broadcast_in_dim3A_70 = vector.broadcast %jit3A_68 : f32 to vector<64x1xf32>
    %broadcast_in_dim3A_71 = vector.broadcast %jit3A_69 : f32 to vector<64x1xf32>
    %select_n3A_72 = arith.select %eq3A_67, %broadcast_in_dim3A_70, %broadcast_in_dim3A_71 : vector<64x1xi1>, vector<64x1xf32>
    %get3A_73 = arith.constant 0 : index
    %get3A_74 = arith.constant 0 : index
    %get3A_75 = vector.load %arg2[%get3A_73, %get3A_74] : memref<8x128xf32, #tpu.memory_space<vmem>>, vector<1x128xf32>
    %get3A_76 = vector.shape_cast %get3A_75 : vector<1x128xf32> to vector<128xf32>
    %broadcast_in_dim3A_77 = vector.shape_cast %get3A_76 : vector<128xf32> to vector<1x128xf32>
    %mul3A_78 = vector.broadcast %select_n3A_72 : vector<64x1xf32> to vector<64x128xf32>
    %mul3A_79 = vector.broadcast %broadcast_in_dim3A_77 : vector<1x128xf32> to vector<64x128xf32>
    %mul3A_80 = arith.mulf %mul3A_78, %mul3A_79 : vector<64x128xf32>
    %add3A_81 = arith.addf %broadcast_in_dim3A_47, %mul3A_80 : vector<64x128xf32>
    %eq3A_82 = arith.constant 0 : i32
    %eq3A_83 = vector.broadcast %eq3A_82 : i32 to vector<64x1xi32>
    %eq3A_84 = arith.cmpi eq, %select_n3A_44, %eq3A_83 : vector<64x1xi32>
    %jit3A_85 = arith.constant 1.000000e+00 : f32
    %jit3A_86 = arith.constant 0.000000e+00 : f32
    %broadcast_in_dim3A_87 = vector.broadcast %jit3A_85 : f32 to vector<64x1xf32>
    %broadcast_in_dim3A_88 = vector.broadcast %jit3A_86 : f32 to vector<64x1xf32>
    %select_n3A_89 = arith.select %eq3A_84, %broadcast_in_dim3A_87, %broadcast_in_dim3A_88 : vector<64x1xi1>, vector<64x1xf32>
    %get3A_90 = arith.constant 0 : index
    %get3A_91 = arith.constant 0 : index
    %get3A_92 = vector.load %arg3[%get3A_90, %get3A_91] : memref<8x128xf32, #tpu.memory_space<vmem>>, vector<1x128xf32>
    %get3A_93 = vector.shape_cast %get3A_92 : vector<1x128xf32> to vector<128xf32>
    %broadcast_in_dim3A_94 = vector.shape_cast %get3A_93 : vector<128xf32> to vector<1x128xf32>
    %mul3A_95 = vector.broadcast %select_n3A_89 : vector<64x1xf32> to vector<64x128xf32>
    %mul3A_96 = vector.broadcast %broadcast_in_dim3A_94 : vector<1x128xf32> to vector<64x128xf32>
    %mul3A_97 = arith.mulf %mul3A_95, %mul3A_96 : vector<64x128xf32>
    %add3A_98 = arith.addf %broadcast_in_dim3A_49, %mul3A_97 : vector<64x128xf32>
    %eq3A_99 = arith.constant 1 : i32
    %eq3A_100 = vector.broadcast %eq3A_99 : i32 to vector<64x1xi32>
    %eq3A_101 = arith.cmpi eq, %select_n3A_13, %eq3A_100 : vector<64x1xi32>
    %jit3A_102 = arith.constant 1.000000e+00 : f32
    %jit3A_103 = arith.constant 0.000000e+00 : f32
    %broadcast_in_dim3A_104 = vector.broadcast %jit3A_102 : f32 to vector<64x1xf32>
    %broadcast_in_dim3A_105 = vector.broadcast %jit3A_103 : f32 to vector<64x1xf32>
    %select_n3A_106 = arith.select %eq3A_101, %broadcast_in_dim3A_104, %broadcast_in_dim3A_105 : vector<64x1xi1>, vector<64x1xf32>
    %get3A_107 = arith.constant 1 : index
    %get3A_108 = arith.constant 0 : index
    %get3A_109 = vector.load %arg1[%get3A_107, %get3A_108] : memref<8x128xf32, #tpu.memory_space<vmem>>, vector<1x128xf32>
    %get3A_110 = vector.shape_cast %get3A_109 : vector<1x128xf32> to vector<128xf32>
    %broadcast_in_dim3A_111 = vector.shape_cast %get3A_110 : vector<128xf32> to vector<1x128xf32>
    %mul3A_112 = vector.broadcast %select_n3A_106 : vector<64x1xf32> to vector<64x128xf32>
    %mul3A_113 = vector.broadcast %broadcast_in_dim3A_111 : vector<1x128xf32> to vector<64x128xf32>
    %mul3A_114 = arith.mulf %mul3A_112, %mul3A_113 : vector<64x128xf32>
    %add3A_115 = arith.addf %add3A_64, %mul3A_114 : vector<64x128xf32>
    %eq3A_116 = arith.constant 1 : i32
    %eq3A_117 = vector.broadcast %eq3A_116 : i32 to vector<64x1xi32>
    %eq3A_118 = arith.cmpi eq, %sub3A_15, %eq3A_117 : vector<64x1xi32>
    %jit3A_119 = arith.constant 1.000000e+00 : f32
    %jit3A_120 = arith.constant 0.000000e+00 : f32
    %broadcast_in_dim3A_121 = vector.broadcast %jit3A_119 : f32 to vector<64x1xf32>
    %broadcast_in_dim3A_122 = vector.broadcast %jit3A_120 : f32 to vector<64x1xf32>
    %select_n3A_123 = arith.select %eq3A_118, %broadcast_in_dim3A_121, %broadcast_in_dim3A_122 : vector<64x1xi1>, vector<64x1xf32>
    %get3A_124 = arith.constant 1 : index
    %get3A_125 = arith.constant 0 : index
    %get3A_126 = vector.load %arg2[%get3A_124, %get3A_125] : memref<8x128xf32, #tpu.memory_space<vmem>>, vector<1x128xf32>
    %get3A_127 = vector.shape_cast %get3A_126 : vector<1x128xf32> to vector<128xf32>
    %broadcast_in_dim3A_128 = vector.shape_cast %get3A_127 : vector<128xf32> to vector<1x128xf32>
    %mul3A_129 = vector.broadcast %select_n3A_123 : vector<64x1xf32> to vector<64x128xf32>
    %mul3A_130 = vector.broadcast %broadcast_in_dim3A_128 : vector<1x128xf32> to vector<64x128xf32>
    %mul3A_131 = arith.mulf %mul3A_129, %mul3A_130 : vector<64x128xf32>
    %add3A_132 = arith.addf %add3A_81, %mul3A_131 : vector<64x128xf32>
    %eq3A_133 = arith.constant 1 : i32
    %eq3A_134 = vector.broadcast %eq3A_133 : i32 to vector<64x1xi32>
    %eq3A_135 = arith.cmpi eq, %select_n3A_44, %eq3A_134 : vector<64x1xi32>
    %jit3A_136 = arith.constant 1.000000e+00 : f32
    %jit3A_137 = arith.constant 0.000000e+00 : f32
    %broadcast_in_dim3A_138 = vector.broadcast %jit3A_136 : f32 to vector<64x1xf32>
    %broadcast_in_dim3A_139 = vector.broadcast %jit3A_137 : f32 to vector<64x1xf32>
    %select_n3A_140 = arith.select %eq3A_135, %broadcast_in_dim3A_138, %broadcast_in_dim3A_139 : vector<64x1xi1>, vector<64x1xf32>
    %get3A_141 = arith.constant 1 : index
    %get3A_142 = arith.constant 0 : index
    %get3A_143 = vector.load %arg3[%get3A_141, %get3A_142] : memref<8x128xf32, #tpu.memory_space<vmem>>, vector<1x128xf32>
    %get3A_144 = vector.shape_cast %get3A_143 : vector<1x128xf32> to vector<128xf32>
    %broadcast_in_dim3A_145 = vector.shape_cast %get3A_144 : vector<128xf32> to vector<1x128xf32>
    %mul3A_146 = vector.broadcast %select_n3A_140 : vector<64x1xf32> to vector<64x128xf32>
    %mul3A_147 = vector.broadcast %broadcast_in_dim3A_145 : vector<1x128xf32> to vector<64x128xf32>
    %mul3A_148 = arith.mulf %mul3A_146, %mul3A_147 : vector<64x128xf32>
    %add3A_149 = arith.addf %add3A_98, %mul3A_148 : vector<64x128xf32>
    %eq3A_150 = arith.constant 2 : i32
    %eq3A_151 = vector.broadcast %eq3A_150 : i32 to vector<64x1xi32>
    %eq3A_152 = arith.cmpi eq, %select_n3A_13, %eq3A_151 : vector<64x1xi32>
    %jit3A_153 = arith.constant 1.000000e+00 : f32
    %jit3A_154 = arith.constant 0.000000e+00 : f32
    %broadcast_in_dim3A_155 = vector.broadcast %jit3A_153 : f32 to vector<64x1xf32>
    %broadcast_in_dim3A_156 = vector.broadcast %jit3A_154 : f32 to vector<64x1xf32>
    %select_n3A_157 = arith.select %eq3A_152, %broadcast_in_dim3A_155, %broadcast_in_dim3A_156 : vector<64x1xi1>, vector<64x1xf32>
    %get3A_158 = arith.constant 2 : index
    %get3A_159 = arith.constant 0 : index
    %get3A_160 = vector.load %arg1[%get3A_158, %get3A_159] : memref<8x128xf32, #tpu.memory_space<vmem>>, vector<1x128xf32>
    %get3A_161 = vector.shape_cast %get3A_160 : vector<1x128xf32> to vector<128xf32>
    %broadcast_in_dim3A_162 = vector.shape_cast %get3A_161 : vector<128xf32> to vector<1x128xf32>
    %mul3A_163 = vector.broadcast %select_n3A_157 : vector<64x1xf32> to vector<64x128xf32>
    %mul3A_164 = vector.broadcast %broadcast_in_dim3A_162 : vector<1x128xf32> to vector<64x128xf32>
    %mul3A_165 = arith.mulf %mul3A_163, %mul3A_164 : vector<64x128xf32>
    %add3A_166 = arith.addf %add3A_115, %mul3A_165 : vector<64x128xf32>
    %eq3A_167 = arith.constant 2 : i32
    %eq3A_168 = vector.broadcast %eq3A_167 : i32 to vector<64x1xi32>
    %eq3A_169 = arith.cmpi eq, %sub3A_15, %eq3A_168 : vector<64x1xi32>
    %jit3A_170 = arith.constant 1.000000e+00 : f32
    %jit3A_171 = arith.constant 0.000000e+00 : f32
    %broadcast_in_dim3A_172 = vector.broadcast %jit3A_170 : f32 to vector<64x1xf32>
    %broadcast_in_dim3A_173 = vector.broadcast %jit3A_171 : f32 to vector<64x1xf32>
    %select_n3A_174 = arith.select %eq3A_169, %broadcast_in_dim3A_172, %broadcast_in_dim3A_173 : vector<64x1xi1>, vector<64x1xf32>
    %get3A_175 = arith.constant 2 : index
    %get3A_176 = arith.constant 0 : index
    %get3A_177 = vector.load %arg2[%get3A_175, %get3A_176] : memref<8x128xf32, #tpu.memory_space<vmem>>, vector<1x128xf32>
    %get3A_178 = vector.shape_cast %get3A_177 : vector<1x128xf32> to vector<128xf32>
    %broadcast_in_dim3A_179 = vector.shape_cast %get3A_178 : vector<128xf32> to vector<1x128xf32>
    %mul3A_180 = vector.broadcast %select_n3A_174 : vector<64x1xf32> to vector<64x128xf32>
    %mul3A_181 = vector.broadcast %broadcast_in_dim3A_179 : vector<1x128xf32> to vector<64x128xf32>
    %mul3A_182 = arith.mulf %mul3A_180, %mul3A_181 : vector<64x128xf32>
    %add3A_183 = arith.addf %add3A_132, %mul3A_182 : vector<64x128xf32>
    %eq3A_184 = arith.constant 2 : i32
    %eq3A_185 = vector.broadcast %eq3A_184 : i32 to vector<64x1xi32>
    %eq3A_186 = arith.cmpi eq, %select_n3A_44, %eq3A_185 : vector<64x1xi32>
    %jit3A_187 = arith.constant 1.000000e+00 : f32
    %jit3A_188 = arith.constant 0.000000e+00 : f32
    %broadcast_in_dim3A_189 = vector.broadcast %jit3A_187 : f32 to vector<64x1xf32>
    %broadcast_in_dim3A_190 = vector.broadcast %jit3A_188 : f32 to vector<64x1xf32>
    %select_n3A_191 = arith.select %eq3A_186, %broadcast_in_dim3A_189, %broadcast_in_dim3A_190 : vector<64x1xi1>, vector<64x1xf32>
    %get3A_192 = arith.constant 2 : index
    %get3A_193 = arith.constant 0 : index
    %get3A_194 = vector.load %arg3[%get3A_192, %get3A_193] : memref<8x128xf32, #tpu.memory_space<vmem>>, vector<1x128xf32>
    %get3A_195 = vector.shape_cast %get3A_194 : vector<1x128xf32> to vector<128xf32>
    %broadcast_in_dim3A_196 = vector.shape_cast %get3A_195 : vector<128xf32> to vector<1x128xf32>
    %mul3A_197 = vector.broadcast %select_n3A_191 : vector<64x1xf32> to vector<64x128xf32>
    %mul3A_198 = vector.broadcast %broadcast_in_dim3A_196 : vector<1x128xf32> to vector<64x128xf32>
    %mul3A_199 = arith.mulf %mul3A_197, %mul3A_198 : vector<64x128xf32>
    %add3A_200 = arith.addf %add3A_149, %mul3A_199 : vector<64x128xf32>
    %eq3A_201 = arith.constant 3 : i32
    %eq3A_202 = vector.broadcast %eq3A_201 : i32 to vector<64x1xi32>
    %eq3A_203 = arith.cmpi eq, %select_n3A_13, %eq3A_202 : vector<64x1xi32>
    %jit3A_204 = arith.constant 1.000000e+00 : f32
    %jit3A_205 = arith.constant 0.000000e+00 : f32
    %broadcast_in_dim3A_206 = vector.broadcast %jit3A_204 : f32 to vector<64x1xf32>
    %broadcast_in_dim3A_207 = vector.broadcast %jit3A_205 : f32 to vector<64x1xf32>
    %select_n3A_208 = arith.select %eq3A_203, %broadcast_in_dim3A_206, %broadcast_in_dim3A_207 : vector<64x1xi1>, vector<64x1xf32>
    %get3A_209 = arith.constant 3 : index
    %get3A_210 = arith.constant 0 : index
    %get3A_211 = vector.load %arg1[%get3A_209, %get3A_210] : memref<8x128xf32, #tpu.memory_space<vmem>>, vector<1x128xf32>
    %get3A_212 = vector.shape_cast %get3A_211 : vector<1x128xf32> to vector<128xf32>
    %broadcast_in_dim3A_213 = vector.shape_cast %get3A_212 : vector<128xf32> to vector<1x128xf32>
    %mul3A_214 = vector.broadcast %select_n3A_208 : vector<64x1xf32> to vector<64x128xf32>
    %mul3A_215 = vector.broadcast %broadcast_in_dim3A_213 : vector<1x128xf32> to vector<64x128xf32>
    %mul3A_216 = arith.mulf %mul3A_214, %mul3A_215 : vector<64x128xf32>
    %add3A_217 = arith.addf %add3A_166, %mul3A_216 : vector<64x128xf32>
    %eq3A_218 = arith.constant 3 : i32
    %eq3A_219 = vector.broadcast %eq3A_218 : i32 to vector<64x1xi32>
    %eq3A_220 = arith.cmpi eq, %sub3A_15, %eq3A_219 : vector<64x1xi32>
    %jit3A_221 = arith.constant 1.000000e+00 : f32
    %jit3A_222 = arith.constant 0.000000e+00 : f32
    %broadcast_in_dim3A_223 = vector.broadcast %jit3A_221 : f32 to vector<64x1xf32>
    %broadcast_in_dim3A_224 = vector.broadcast %jit3A_222 : f32 to vector<64x1xf32>
    %select_n3A_225 = arith.select %eq3A_220, %broadcast_in_dim3A_223, %broadcast_in_dim3A_224 : vector<64x1xi1>, vector<64x1xf32>
    %get3A_226 = arith.constant 3 : index
    %get3A_227 = arith.constant 0 : index
    %get3A_228 = vector.load %arg2[%get3A_226, %get3A_227] : memref<8x128xf32, #tpu.memory_space<vmem>>, vector<1x128xf32>
    %get3A_229 = vector.shape_cast %get3A_228 : vector<1x128xf32> to vector<128xf32>
    %broadcast_in_dim3A_230 = vector.shape_cast %get3A_229 : vector<128xf32> to vector<1x128xf32>
    %mul3A_231 = vector.broadcast %select_n3A_225 : vector<64x1xf32> to vector<64x128xf32>
    %mul3A_232 = vector.broadcast %broadcast_in_dim3A_230 : vector<1x128xf32> to vector<64x128xf32>
    %mul3A_233 = arith.mulf %mul3A_231, %mul3A_232 : vector<64x128xf32>
    %add3A_234 = arith.addf %add3A_183, %mul3A_233 : vector<64x128xf32>
    %eq3A_235 = arith.constant 3 : i32
    %eq3A_236 = vector.broadcast %eq3A_235 : i32 to vector<64x1xi32>
    %eq3A_237 = arith.cmpi eq, %select_n3A_44, %eq3A_236 : vector<64x1xi32>
    %jit3A_238 = arith.constant 1.000000e+00 : f32
    %jit3A_239 = arith.constant 0.000000e+00 : f32
    %broadcast_in_dim3A_240 = vector.broadcast %jit3A_238 : f32 to vector<64x1xf32>
    %broadcast_in_dim3A_241 = vector.broadcast %jit3A_239 : f32 to vector<64x1xf32>
    %select_n3A_242 = arith.select %eq3A_237, %broadcast_in_dim3A_240, %broadcast_in_dim3A_241 : vector<64x1xi1>, vector<64x1xf32>
    %get3A_243 = arith.constant 3 : index
    %get3A_244 = arith.constant 0 : index
    %get3A_245 = vector.load %arg3[%get3A_243, %get3A_244] : memref<8x128xf32, #tpu.memory_space<vmem>>, vector<1x128xf32>
    %get3A_246 = vector.shape_cast %get3A_245 : vector<1x128xf32> to vector<128xf32>
    %broadcast_in_dim3A_247 = vector.shape_cast %get3A_246 : vector<128xf32> to vector<1x128xf32>
    %mul3A_248 = vector.broadcast %select_n3A_242 : vector<64x1xf32> to vector<64x128xf32>
    %mul3A_249 = vector.broadcast %broadcast_in_dim3A_247 : vector<1x128xf32> to vector<64x128xf32>
    %mul3A_250 = arith.mulf %mul3A_248, %mul3A_249 : vector<64x128xf32>
    %add3A_251 = arith.addf %add3A_200, %mul3A_250 : vector<64x128xf32>
    %eq3A_252 = arith.constant 4 : i32
    %eq3A_253 = vector.broadcast %eq3A_252 : i32 to vector<64x1xi32>
    %eq3A_254 = arith.cmpi eq, %select_n3A_13, %eq3A_253 : vector<64x1xi32>
    %jit3A_255 = arith.constant 1.000000e+00 : f32
    %jit3A_256 = arith.constant 0.000000e+00 : f32
    %broadcast_in_dim3A_257 = vector.broadcast %jit3A_255 : f32 to vector<64x1xf32>
    %broadcast_in_dim3A_258 = vector.broadcast %jit3A_256 : f32 to vector<64x1xf32>
    %select_n3A_259 = arith.select %eq3A_254, %broadcast_in_dim3A_257, %broadcast_in_dim3A_258 : vector<64x1xi1>, vector<64x1xf32>
    %get3A_260 = arith.constant 4 : index
    %get3A_261 = arith.constant 0 : index
    %get3A_262 = vector.load %arg1[%get3A_260, %get3A_261] : memref<8x128xf32, #tpu.memory_space<vmem>>, vector<1x128xf32>
    %get3A_263 = vector.shape_cast %get3A_262 : vector<1x128xf32> to vector<128xf32>
    %broadcast_in_dim3A_264 = vector.shape_cast %get3A_263 : vector<128xf32> to vector<1x128xf32>
    %mul3A_265 = vector.broadcast %select_n3A_259 : vector<64x1xf32> to vector<64x128xf32>
    %mul3A_266 = vector.broadcast %broadcast_in_dim3A_264 : vector<1x128xf32> to vector<64x128xf32>
    %mul3A_267 = arith.mulf %mul3A_265, %mul3A_266 : vector<64x128xf32>
    %add3A_268 = arith.addf %add3A_217, %mul3A_267 : vector<64x128xf32>
    %eq3A_269 = arith.constant 4 : i32
    %eq3A_270 = vector.broadcast %eq3A_269 : i32 to vector<64x1xi32>
    %eq3A_271 = arith.cmpi eq, %sub3A_15, %eq3A_270 : vector<64x1xi32>
    %jit3A_272 = arith.constant 1.000000e+00 : f32
    %jit3A_273 = arith.constant 0.000000e+00 : f32
    %broadcast_in_dim3A_274 = vector.broadcast %jit3A_272 : f32 to vector<64x1xf32>
    %broadcast_in_dim3A_275 = vector.broadcast %jit3A_273 : f32 to vector<64x1xf32>
    %select_n3A_276 = arith.select %eq3A_271, %broadcast_in_dim3A_274, %broadcast_in_dim3A_275 : vector<64x1xi1>, vector<64x1xf32>
    %get3A_277 = arith.constant 4 : index
    %get3A_278 = arith.constant 0 : index
    %get3A_279 = vector.load %arg2[%get3A_277, %get3A_278] : memref<8x128xf32, #tpu.memory_space<vmem>>, vector<1x128xf32>
    %get3A_280 = vector.shape_cast %get3A_279 : vector<1x128xf32> to vector<128xf32>
    %broadcast_in_dim3A_281 = vector.shape_cast %get3A_280 : vector<128xf32> to vector<1x128xf32>
    %mul3A_282 = vector.broadcast %select_n3A_276 : vector<64x1xf32> to vector<64x128xf32>
    %mul3A_283 = vector.broadcast %broadcast_in_dim3A_281 : vector<1x128xf32> to vector<64x128xf32>
    %mul3A_284 = arith.mulf %mul3A_282, %mul3A_283 : vector<64x128xf32>
    %add3A_285 = arith.addf %add3A_234, %mul3A_284 : vector<64x128xf32>
    %eq3A_286 = arith.constant 4 : i32
    %eq3A_287 = vector.broadcast %eq3A_286 : i32 to vector<64x1xi32>
    %eq3A_288 = arith.cmpi eq, %select_n3A_44, %eq3A_287 : vector<64x1xi32>
    %jit3A_289 = arith.constant 1.000000e+00 : f32
    %jit3A_290 = arith.constant 0.000000e+00 : f32
    %broadcast_in_dim3A_291 = vector.broadcast %jit3A_289 : f32 to vector<64x1xf32>
    %broadcast_in_dim3A_292 = vector.broadcast %jit3A_290 : f32 to vector<64x1xf32>
    %select_n3A_293 = arith.select %eq3A_288, %broadcast_in_dim3A_291, %broadcast_in_dim3A_292 : vector<64x1xi1>, vector<64x1xf32>
    %get3A_294 = arith.constant 4 : index
    %get3A_295 = arith.constant 0 : index
    %get3A_296 = vector.load %arg3[%get3A_294, %get3A_295] : memref<8x128xf32, #tpu.memory_space<vmem>>, vector<1x128xf32>
    %get3A_297 = vector.shape_cast %get3A_296 : vector<1x128xf32> to vector<128xf32>
    %broadcast_in_dim3A_298 = vector.shape_cast %get3A_297 : vector<128xf32> to vector<1x128xf32>
    %mul3A_299 = vector.broadcast %select_n3A_293 : vector<64x1xf32> to vector<64x128xf32>
    %mul3A_300 = vector.broadcast %broadcast_in_dim3A_298 : vector<1x128xf32> to vector<64x128xf32>
    %mul3A_301 = arith.mulf %mul3A_299, %mul3A_300 : vector<64x128xf32>
    %add3A_302 = arith.addf %add3A_251, %mul3A_301 : vector<64x128xf32>
    %eq3A_303 = arith.constant 5 : i32
    %eq3A_304 = vector.broadcast %eq3A_303 : i32 to vector<64x1xi32>
    %eq3A_305 = arith.cmpi eq, %select_n3A_13, %eq3A_304 : vector<64x1xi32>
    %jit3A_306 = arith.constant 1.000000e+00 : f32
    %jit3A_307 = arith.constant 0.000000e+00 : f32
    %broadcast_in_dim3A_308 = vector.broadcast %jit3A_306 : f32 to vector<64x1xf32>
    %broadcast_in_dim3A_309 = vector.broadcast %jit3A_307 : f32 to vector<64x1xf32>
    %select_n3A_310 = arith.select %eq3A_305, %broadcast_in_dim3A_308, %broadcast_in_dim3A_309 : vector<64x1xi1>, vector<64x1xf32>
    %get3A_311 = arith.constant 5 : index
    %get3A_312 = arith.constant 0 : index
    %get3A_313 = vector.load %arg1[%get3A_311, %get3A_312] : memref<8x128xf32, #tpu.memory_space<vmem>>, vector<1x128xf32>
    %get3A_314 = vector.shape_cast %get3A_313 : vector<1x128xf32> to vector<128xf32>
    %broadcast_in_dim3A_315 = vector.shape_cast %get3A_314 : vector<128xf32> to vector<1x128xf32>
    %mul3A_316 = vector.broadcast %select_n3A_310 : vector<64x1xf32> to vector<64x128xf32>
    %mul3A_317 = vector.broadcast %broadcast_in_dim3A_315 : vector<1x128xf32> to vector<64x128xf32>
    %mul3A_318 = arith.mulf %mul3A_316, %mul3A_317 : vector<64x128xf32>
    %add3A_319 = arith.addf %add3A_268, %mul3A_318 : vector<64x128xf32>
    %eq3A_320 = arith.constant 5 : i32
    %eq3A_321 = vector.broadcast %eq3A_320 : i32 to vector<64x1xi32>
    %eq3A_322 = arith.cmpi eq, %sub3A_15, %eq3A_321 : vector<64x1xi32>
    %jit3A_323 = arith.constant 1.000000e+00 : f32
    %jit3A_324 = arith.constant 0.000000e+00 : f32
    %broadcast_in_dim3A_325 = vector.broadcast %jit3A_323 : f32 to vector<64x1xf32>
    %broadcast_in_dim3A_326 = vector.broadcast %jit3A_324 : f32 to vector<64x1xf32>
    %select_n3A_327 = arith.select %eq3A_322, %broadcast_in_dim3A_325, %broadcast_in_dim3A_326 : vector<64x1xi1>, vector<64x1xf32>
    %get3A_328 = arith.constant 5 : index
    %get3A_329 = arith.constant 0 : index
    %get3A_330 = vector.load %arg2[%get3A_328, %get3A_329] : memref<8x128xf32, #tpu.memory_space<vmem>>, vector<1x128xf32>
    %get3A_331 = vector.shape_cast %get3A_330 : vector<1x128xf32> to vector<128xf32>
    %broadcast_in_dim3A_332 = vector.shape_cast %get3A_331 : vector<128xf32> to vector<1x128xf32>
    %mul3A_333 = vector.broadcast %select_n3A_327 : vector<64x1xf32> to vector<64x128xf32>
    %mul3A_334 = vector.broadcast %broadcast_in_dim3A_332 : vector<1x128xf32> to vector<64x128xf32>
    %mul3A_335 = arith.mulf %mul3A_333, %mul3A_334 : vector<64x128xf32>
    %add3A_336 = arith.addf %add3A_285, %mul3A_335 : vector<64x128xf32>
    %eq3A_337 = arith.constant 5 : i32
    %eq3A_338 = vector.broadcast %eq3A_337 : i32 to vector<64x1xi32>
    %eq3A_339 = arith.cmpi eq, %select_n3A_44, %eq3A_338 : vector<64x1xi32>
    %jit3A_340 = arith.constant 1.000000e+00 : f32
    %jit3A_341 = arith.constant 0.000000e+00 : f32
    %broadcast_in_dim3A_342 = vector.broadcast %jit3A_340 : f32 to vector<64x1xf32>
    %broadcast_in_dim3A_343 = vector.broadcast %jit3A_341 : f32 to vector<64x1xf32>
    %select_n3A_344 = arith.select %eq3A_339, %broadcast_in_dim3A_342, %broadcast_in_dim3A_343 : vector<64x1xi1>, vector<64x1xf32>
    %get3A_345 = arith.constant 5 : index
    %get3A_346 = arith.constant 0 : index
    %get3A_347 = vector.load %arg3[%get3A_345, %get3A_346] : memref<8x128xf32, #tpu.memory_space<vmem>>, vector<1x128xf32>
    %get3A_348 = vector.shape_cast %get3A_347 : vector<1x128xf32> to vector<128xf32>
    %broadcast_in_dim3A_349 = vector.shape_cast %get3A_348 : vector<128xf32> to vector<1x128xf32>
    %mul3A_350 = vector.broadcast %select_n3A_344 : vector<64x1xf32> to vector<64x128xf32>
    %mul3A_351 = vector.broadcast %broadcast_in_dim3A_349 : vector<1x128xf32> to vector<64x128xf32>
    %mul3A_352 = arith.mulf %mul3A_350, %mul3A_351 : vector<64x128xf32>
    %add3A_353 = arith.addf %add3A_302, %mul3A_352 : vector<64x128xf32>
    %eq3A_354 = arith.constant 6 : i32
    %eq3A_355 = vector.broadcast %eq3A_354 : i32 to vector<64x1xi32>
    %eq3A_356 = arith.cmpi eq, %select_n3A_13, %eq3A_355 : vector<64x1xi32>
    %jit3A_357 = arith.constant 1.000000e+00 : f32
    %jit3A_358 = arith.constant 0.000000e+00 : f32
    %broadcast_in_dim3A_359 = vector.broadcast %jit3A_357 : f32 to vector<64x1xf32>
    %broadcast_in_dim3A_360 = vector.broadcast %jit3A_358 : f32 to vector<64x1xf32>
    %select_n3A_361 = arith.select %eq3A_356, %broadcast_in_dim3A_359, %broadcast_in_dim3A_360 : vector<64x1xi1>, vector<64x1xf32>
    %get3A_362 = arith.constant 6 : index
    %get3A_363 = arith.constant 0 : index
    %get3A_364 = vector.load %arg1[%get3A_362, %get3A_363] : memref<8x128xf32, #tpu.memory_space<vmem>>, vector<1x128xf32>
    %get3A_365 = vector.shape_cast %get3A_364 : vector<1x128xf32> to vector<128xf32>
    %broadcast_in_dim3A_366 = vector.shape_cast %get3A_365 : vector<128xf32> to vector<1x128xf32>
    %mul3A_367 = vector.broadcast %select_n3A_361 : vector<64x1xf32> to vector<64x128xf32>
    %mul3A_368 = vector.broadcast %broadcast_in_dim3A_366 : vector<1x128xf32> to vector<64x128xf32>
    %mul3A_369 = arith.mulf %mul3A_367, %mul3A_368 : vector<64x128xf32>
    %add3A_370 = arith.addf %add3A_319, %mul3A_369 : vector<64x128xf32>
    %eq3A_371 = arith.constant 6 : i32
    %eq3A_372 = vector.broadcast %eq3A_371 : i32 to vector<64x1xi32>
    %eq3A_373 = arith.cmpi eq, %sub3A_15, %eq3A_372 : vector<64x1xi32>
    %jit3A_374 = arith.constant 1.000000e+00 : f32
    %jit3A_375 = arith.constant 0.000000e+00 : f32
    %broadcast_in_dim3A_376 = vector.broadcast %jit3A_374 : f32 to vector<64x1xf32>
    %broadcast_in_dim3A_377 = vector.broadcast %jit3A_375 : f32 to vector<64x1xf32>
    %select_n3A_378 = arith.select %eq3A_373, %broadcast_in_dim3A_376, %broadcast_in_dim3A_377 : vector<64x1xi1>, vector<64x1xf32>
    %get3A_379 = arith.constant 6 : index
    %get3A_380 = arith.constant 0 : index
    %get3A_381 = vector.load %arg2[%get3A_379, %get3A_380] : memref<8x128xf32, #tpu.memory_space<vmem>>, vector<1x128xf32>
    %get3A_382 = vector.shape_cast %get3A_381 : vector<1x128xf32> to vector<128xf32>
    %broadcast_in_dim3A_383 = vector.shape_cast %get3A_382 : vector<128xf32> to vector<1x128xf32>
    %mul3A_384 = vector.broadcast %select_n3A_378 : vector<64x1xf32> to vector<64x128xf32>
    %mul3A_385 = vector.broadcast %broadcast_in_dim3A_383 : vector<1x128xf32> to vector<64x128xf32>
    %mul3A_386 = arith.mulf %mul3A_384, %mul3A_385 : vector<64x128xf32>
    %add3A_387 = arith.addf %add3A_336, %mul3A_386 : vector<64x128xf32>
    %eq3A_388 = arith.constant 6 : i32
    %eq3A_389 = vector.broadcast %eq3A_388 : i32 to vector<64x1xi32>
    %eq3A_390 = arith.cmpi eq, %select_n3A_44, %eq3A_389 : vector<64x1xi32>
    %jit3A_391 = arith.constant 1.000000e+00 : f32
    %jit3A_392 = arith.constant 0.000000e+00 : f32
    %broadcast_in_dim3A_393 = vector.broadcast %jit3A_391 : f32 to vector<64x1xf32>
    %broadcast_in_dim3A_394 = vector.broadcast %jit3A_392 : f32 to vector<64x1xf32>
    %select_n3A_395 = arith.select %eq3A_390, %broadcast_in_dim3A_393, %broadcast_in_dim3A_394 : vector<64x1xi1>, vector<64x1xf32>
    %get3A_396 = arith.constant 6 : index
    %get3A_397 = arith.constant 0 : index
    %get3A_398 = vector.load %arg3[%get3A_396, %get3A_397] : memref<8x128xf32, #tpu.memory_space<vmem>>, vector<1x128xf32>
    %get3A_399 = vector.shape_cast %get3A_398 : vector<1x128xf32> to vector<128xf32>
    %broadcast_in_dim3A_400 = vector.shape_cast %get3A_399 : vector<128xf32> to vector<1x128xf32>
    %mul3A_401 = vector.broadcast %select_n3A_395 : vector<64x1xf32> to vector<64x128xf32>
    %mul3A_402 = vector.broadcast %broadcast_in_dim3A_400 : vector<1x128xf32> to vector<64x128xf32>
    %mul3A_403 = arith.mulf %mul3A_401, %mul3A_402 : vector<64x128xf32>
    %add3A_404 = arith.addf %add3A_353, %mul3A_403 : vector<64x128xf32>
    %eq3A_405 = arith.constant 7 : i32
    %eq3A_406 = vector.broadcast %eq3A_405 : i32 to vector<64x1xi32>
    %eq3A_407 = arith.cmpi eq, %select_n3A_13, %eq3A_406 : vector<64x1xi32>
    %jit3A_408 = arith.constant 1.000000e+00 : f32
    %jit3A_409 = arith.constant 0.000000e+00 : f32
    %broadcast_in_dim3A_410 = vector.broadcast %jit3A_408 : f32 to vector<64x1xf32>
    %broadcast_in_dim3A_411 = vector.broadcast %jit3A_409 : f32 to vector<64x1xf32>
    %select_n3A_412 = arith.select %eq3A_407, %broadcast_in_dim3A_410, %broadcast_in_dim3A_411 : vector<64x1xi1>, vector<64x1xf32>
    %get3A_413 = arith.constant 7 : index
    %get3A_414 = arith.constant 0 : index
    %get3A_415 = vector.load %arg1[%get3A_413, %get3A_414] : memref<8x128xf32, #tpu.memory_space<vmem>>, vector<1x128xf32>
    %get3A_416 = vector.shape_cast %get3A_415 : vector<1x128xf32> to vector<128xf32>
    %broadcast_in_dim3A_417 = vector.shape_cast %get3A_416 : vector<128xf32> to vector<1x128xf32>
    %mul3A_418 = vector.broadcast %select_n3A_412 : vector<64x1xf32> to vector<64x128xf32>
    %mul3A_419 = vector.broadcast %broadcast_in_dim3A_417 : vector<1x128xf32> to vector<64x128xf32>
    %mul3A_420 = arith.mulf %mul3A_418, %mul3A_419 : vector<64x128xf32>
    %add3A_421 = arith.addf %add3A_370, %mul3A_420 : vector<64x128xf32>
    %eq3A_422 = arith.constant 7 : i32
    %eq3A_423 = vector.broadcast %eq3A_422 : i32 to vector<64x1xi32>
    %eq3A_424 = arith.cmpi eq, %sub3A_15, %eq3A_423 : vector<64x1xi32>
    %jit3A_425 = arith.constant 1.000000e+00 : f32
    %jit3A_426 = arith.constant 0.000000e+00 : f32
    %broadcast_in_dim3A_427 = vector.broadcast %jit3A_425 : f32 to vector<64x1xf32>
    %broadcast_in_dim3A_428 = vector.broadcast %jit3A_426 : f32 to vector<64x1xf32>
    %select_n3A_429 = arith.select %eq3A_424, %broadcast_in_dim3A_427, %broadcast_in_dim3A_428 : vector<64x1xi1>, vector<64x1xf32>
    %get3A_430 = arith.constant 7 : index
    %get3A_431 = arith.constant 0 : index
    %get3A_432 = vector.load %arg2[%get3A_430, %get3A_431] : memref<8x128xf32, #tpu.memory_space<vmem>>, vector<1x128xf32>
    %get3A_433 = vector.shape_cast %get3A_432 : vector<1x128xf32> to vector<128xf32>
    %broadcast_in_dim3A_434 = vector.shape_cast %get3A_433 : vector<128xf32> to vector<1x128xf32>
    %mul3A_435 = vector.broadcast %select_n3A_429 : vector<64x1xf32> to vector<64x128xf32>
    %mul3A_436 = vector.broadcast %broadcast_in_dim3A_434 : vector<1x128xf32> to vector<64x128xf32>
    %mul3A_437 = arith.mulf %mul3A_435, %mul3A_436 : vector<64x128xf32>
    %add3A_438 = arith.addf %add3A_387, %mul3A_437 : vector<64x128xf32>
    %eq3A_439 = arith.constant 7 : i32
    %eq3A_440 = vector.broadcast %eq3A_439 : i32 to vector<64x1xi32>
    %eq3A_441 = arith.cmpi eq, %select_n3A_44, %eq3A_440 : vector<64x1xi32>
    %jit3A_442 = arith.constant 1.000000e+00 : f32
    %jit3A_443 = arith.constant 0.000000e+00 : f32
    %broadcast_in_dim3A_444 = vector.broadcast %jit3A_442 : f32 to vector<64x1xf32>
    %broadcast_in_dim3A_445 = vector.broadcast %jit3A_443 : f32 to vector<64x1xf32>
    %select_n3A_446 = arith.select %eq3A_441, %broadcast_in_dim3A_444, %broadcast_in_dim3A_445 : vector<64x1xi1>, vector<64x1xf32>
    %get3A_447 = arith.constant 7 : index
    %get3A_448 = arith.constant 0 : index
    %get3A_449 = vector.load %arg3[%get3A_447, %get3A_448] : memref<8x128xf32, #tpu.memory_space<vmem>>, vector<1x128xf32>
    %get3A_450 = vector.shape_cast %get3A_449 : vector<1x128xf32> to vector<128xf32>
    %broadcast_in_dim3A_451 = vector.shape_cast %get3A_450 : vector<128xf32> to vector<1x128xf32>
    %mul3A_452 = vector.broadcast %select_n3A_446 : vector<64x1xf32> to vector<64x128xf32>
    %mul3A_453 = vector.broadcast %broadcast_in_dim3A_451 : vector<1x128xf32> to vector<64x128xf32>
    %mul3A_454 = arith.mulf %mul3A_452, %mul3A_453 : vector<64x128xf32>
    %add3A_455 = arith.addf %add3A_404, %mul3A_454 : vector<64x128xf32>
    %get3A_456 = arith.constant 0 : index
    %get3A_457 = arith.constant 0 : index
    %get3A_458 = vector.load %arg4[%get3A_456, %get3A_457] : memref<384x128xf32, #tpu.memory_space<vmem>>, vector<128x128xf32>
    %dot_general3A = arith.constant dense<0.000000e+00> : vector<64x128xf32>
    %dot_general3A_459 = tpu.matmul %add3A_421, %get3A_458, %dot_general3A {dimension_numbers = #tpu.dot_dimension_numbers<[1], [0], [0], [1], [0, 0, 1, 1], [], []>, transpose_lhs_hint = false} : vector<64x128xf32>, vector<128x128xf32>, vector<64x128xf32> -> vector<64x128xf32>
    %get3A_460 = arith.constant 128 : index
    %get3A_461 = arith.constant 0 : index
    %get3A_462 = vector.load %arg4[%get3A_460, %get3A_461] : memref<384x128xf32, #tpu.memory_space<vmem>>, vector<128x128xf32>
    %dot_general3A_463 = arith.constant dense<0.000000e+00> : vector<64x128xf32>
    %dot_general3A_464 = tpu.matmul %add3A_438, %get3A_462, %dot_general3A_463 {dimension_numbers = #tpu.dot_dimension_numbers<[1], [0], [0], [1], [0, 0, 1, 1], [], []>, transpose_lhs_hint = false} : vector<64x128xf32>, vector<128x128xf32>, vector<64x128xf32> -> vector<64x128xf32>
    %add3A_465 = arith.addf %dot_general3A_459, %dot_general3A_464 : vector<64x128xf32>
    %get3A_466 = arith.constant 256 : index
    %get3A_467 = arith.constant 0 : index
    %get3A_468 = vector.load %arg4[%get3A_466, %get3A_467] : memref<384x128xf32, #tpu.memory_space<vmem>>, vector<128x128xf32>
    %dot_general3A_469 = arith.constant dense<0.000000e+00> : vector<64x128xf32>
    %dot_general3A_470 = tpu.matmul %add3A_455, %get3A_468, %dot_general3A_469 {dimension_numbers = #tpu.dot_dimension_numbers<[1], [0], [0], [1], [0, 0, 1, 1], [], []>, transpose_lhs_hint = false} : vector<64x128xf32>, vector<128x128xf32>, vector<64x128xf32> -> vector<64x128xf32>
    %add3A_471 = arith.addf %add3A_465, %dot_general3A_470 : vector<64x128xf32>
    %get3A_472 = arith.constant 0 : index
    %get3A_473 = arith.constant 0 : index
    %get3A_474 = vector.load %arg5[%get3A_472, %get3A_473] : memref<1x128xf32, #tpu.memory_space<vmem>>, vector<1x128xf32>
    %add3A_475 = vector.broadcast %get3A_474 : vector<1x128xf32> to vector<64x128xf32>
    %add3A_476 = arith.addf %add3A_471, %add3A_475 : vector<64x128xf32>
    %max3A = arith.constant 0.000000e+00 : f32
    %max3A_477 = vector.broadcast %max3A : f32 to vector<64x128xf32>
    %max3A_478 = arith.maximumf %add3A_476, %max3A_477 : vector<64x128xf32>
    %get3A_479 = arith.constant 0 : index
    %get3A_480 = arith.constant 0 : index
    %get3A_481 = vector.load %arg6[%get3A_479, %get3A_480] : memref<128x128xf32, #tpu.memory_space<vmem>>, vector<128x128xf32>
    %dot_general3A_482 = arith.constant dense<0.000000e+00> : vector<64x128xf32>
    %dot_general3A_483 = tpu.matmul %max3A_478, %get3A_481, %dot_general3A_482 {dimension_numbers = #tpu.dot_dimension_numbers<[1], [0], [0], [1], [0, 0, 1, 1], [], []>, transpose_lhs_hint = false} : vector<64x128xf32>, vector<128x128xf32>, vector<64x128xf32> -> vector<64x128xf32>
    %get3A_484 = arith.constant 0 : index
    %get3A_485 = arith.constant 0 : index
    %get3A_486 = vector.load %arg7[%get3A_484, %get3A_485] : memref<1x128xf32, #tpu.memory_space<vmem>>, vector<1x128xf32>
    %add3A_487 = vector.broadcast %get3A_486 : vector<1x128xf32> to vector<64x128xf32>
    %add3A_488 = arith.addf %dot_general3A_483, %add3A_487 : vector<64x128xf32>
    %max3A_489 = arith.constant 0.000000e+00 : f32
    %max3A_490 = vector.broadcast %max3A_489 : f32 to vector<64x128xf32>
    %max3A_491 = arith.maximumf %add3A_488, %max3A_490 : vector<64x128xf32>
    %get3A_492 = arith.constant 0 : index
    %get3A_493 = arith.constant 0 : index
    %get3A_494 = vector.load %arg8[%get3A_492, %get3A_493] : memref<128x128xf32, #tpu.memory_space<vmem>>, vector<128x128xf32>
    %dot_general3A_495 = arith.constant dense<0.000000e+00> : vector<64x128xf32>
    %dot_general3A_496 = tpu.matmul %max3A_491, %get3A_494, %dot_general3A_495 {dimension_numbers = #tpu.dot_dimension_numbers<[1], [0], [0], [1], [0, 0, 1, 1], [], []>, transpose_lhs_hint = false} : vector<64x128xf32>, vector<128x128xf32>, vector<64x128xf32> -> vector<64x128xf32>
    %get3A_497 = arith.constant 0 : index
    %get3A_498 = arith.constant 0 : index
    %get3A_499 = vector.load %arg9[%get3A_497, %get3A_498] : memref<1x128xf32, #tpu.memory_space<vmem>>, vector<1x128xf32>
    %add3A_500 = vector.broadcast %get3A_499 : vector<1x128xf32> to vector<64x128xf32>
    %add3A_501 = arith.addf %dot_general3A_496, %add3A_500 : vector<64x128xf32>
    %max3A_502 = arith.constant 0.000000e+00 : f32
    %max3A_503 = vector.broadcast %max3A_502 : f32 to vector<64x128xf32>
    %max3A_504 = arith.maximumf %add3A_501, %max3A_503 : vector<64x128xf32>
    %get3A_505 = arith.constant 0 : index
    %get3A_506 = arith.constant 0 : index
    %get3A_507 = vector.load %arg10[%get3A_505, %get3A_506] : memref<128x128xf32, #tpu.memory_space<vmem>>, vector<128x128xf32>
    %dot_general3A_508 = arith.constant dense<0.000000e+00> : vector<64x128xf32>
    %dot_general3A_509 = tpu.matmul %max3A_504, %get3A_507, %dot_general3A_508 {dimension_numbers = #tpu.dot_dimension_numbers<[1], [0], [0], [1], [0, 0, 1, 1], [], []>, transpose_lhs_hint = false} : vector<64x128xf32>, vector<128x128xf32>, vector<64x128xf32> -> vector<64x128xf32>
    %get3A_510 = arith.constant 0 : index
    %get3A_511 = arith.constant 0 : index
    %get3A_512 = vector.load %arg11[%get3A_510, %get3A_511] : memref<1x128xf32, #tpu.memory_space<vmem>>, vector<1x128xf32>
    %add3A_513 = vector.broadcast %get3A_512 : vector<1x128xf32> to vector<64x128xf32>
    %add3A_514 = arith.addf %dot_general3A_509, %add3A_513 : vector<64x128xf32>
    %max3A_515 = arith.constant 0.000000e+00 : f32
    %max3A_516 = vector.broadcast %max3A_515 : f32 to vector<64x128xf32>
    %max3A_517 = arith.maximumf %add3A_514, %max3A_516 : vector<64x128xf32>
    %get3A_518 = arith.constant 0 : index
    %get3A_519 = arith.constant 0 : index
    %get3A_520 = vector.load %arg12[%get3A_518, %get3A_519] : memref<128x128xf32, #tpu.memory_space<vmem>>, vector<128x128xf32>
    %dot_general3A_521 = arith.constant dense<0.000000e+00> : vector<64x128xf32>
    %dot_general3A_522 = tpu.matmul %max3A_517, %get3A_520, %dot_general3A_521 {dimension_numbers = #tpu.dot_dimension_numbers<[1], [0], [0], [1], [0, 0, 1, 1], [], []>, transpose_lhs_hint = false} : vector<64x128xf32>, vector<128x128xf32>, vector<64x128xf32> -> vector<64x128xf32>
    %get3A_523 = arith.constant 0 : index
    %get3A_524 = arith.constant 0 : index
    %get3A_525 = vector.load %arg13[%get3A_523, %get3A_524] : memref<1x128xf32, #tpu.memory_space<vmem>>, vector<1x128xf32>
    %add3A_526 = vector.broadcast %get3A_525 : vector<1x128xf32> to vector<64x128xf32>
    %add3A_527 = arith.addf %dot_general3A_522, %add3A_526 : vector<64x128xf32>
    %jit3A_528 = arith.constant 2 : i32
    %eq3A_529 = arith.constant 0 : i32
    %eq3A_530 = arith.cmpi eq, %jit3A_528, %eq3A_529 : i32
    %jit3A_531 = arith.constant 1 : i32
    %select_n3A_532 = arith.select %eq3A_530, %jit3A_531, %jit3A_528 : i32
    %rem3A_533 = vector.broadcast %select_n3A_532 : i32 to vector<64x1xi32>
    %rem3A_534 = arith.remsi %iota3A, %rem3A_533 : vector<64x1xi32>
    %ne3A_535 = arith.constant 0 : i32
    %ne3A_536 = vector.broadcast %ne3A_535 : i32 to vector<64x1xi32>
    %ne3A_537 = arith.cmpi ne, %rem3A_534, %ne3A_536 : vector<64x1xi32>
    %lt3A_538 = arith.constant 0 : i32
    %lt3A_539 = vector.broadcast %lt3A_538 : i32 to vector<64x1xi32>
    %lt3A_540 = arith.cmpi slt, %rem3A_534, %lt3A_539 : vector<64x1xi32>
    %lt3A_541 = arith.constant 0 : i32
    %lt3A_542 = arith.cmpi slt, %select_n3A_532, %lt3A_541 : i32
    %ne3A_543 = vector.broadcast %lt3A_542 : i1 to vector<64x1xi1>
    %ne3A_544 = vector.broadcast %ne3A_543 : vector<64x1xi1> to vector<64x1xi1>
    %ne3A_545 = arith.xori %lt3A_540, %ne3A_544 : vector<64x1xi1>
    %and3A_546 = arith.andi %ne3A_545, %ne3A_537 : vector<64x1xi1>
    %add3A_547 = vector.broadcast %select_n3A_532 : i32 to vector<64x1xi32>
    %add3A_548 = arith.addi %rem3A_534, %add3A_547 : vector<64x1xi32>
    %select_n3A_549 = arith.select %and3A_546, %add3A_548, %rem3A_534 : vector<64x1xi1>, vector<64x1xi32>
    %eq3A_550 = arith.constant 1 : i32
    %eq3A_551 = vector.broadcast %eq3A_550 : i32 to vector<64x1xi32>
    %eq3A_552 = arith.cmpi eq, %select_n3A_549, %eq3A_551 : vector<64x1xi32>
    %jit3A_553 = arith.constant 1.000000e+00 : f32
    %jit3A_554 = arith.constant 0.000000e+00 : f32
    %broadcast_in_dim3A_555 = vector.broadcast %jit3A_553 : f32 to vector<64x1xf32>
    %broadcast_in_dim3A_556 = vector.broadcast %jit3A_554 : f32 to vector<64x1xf32>
    %select_n3A_557 = arith.select %eq3A_552, %broadcast_in_dim3A_555, %broadcast_in_dim3A_556 : vector<64x1xi1>, vector<64x1xf32>
    %get3A_558 = arith.constant 0 : index
    %get3A_559 = arith.constant 0 : index
    %get3A_560 = vector.load %arg0[%get3A_558, %get3A_559] : memref<64x128xf32, #tpu.memory_space<vmem>>, vector<64x128xf32>
    %mul3A_561 = vector.broadcast %select_n3A_557 : vector<64x1xf32> to vector<64x128xf32>
    %mul3A_562 = arith.mulf %mul3A_561, %get3A_560 : vector<64x128xf32>
    %sub3A_563 = arith.constant 1.000000e+00 : f32
    %sub3A_564 = vector.broadcast %sub3A_563 : f32 to vector<64x1xf32>
    %sub3A_565 = arith.subf %sub3A_564, %select_n3A_557 : vector<64x1xf32>
    %mul3A_566 = vector.broadcast %sub3A_565 : vector<64x1xf32> to vector<64x128xf32>
    %mul3A_567 = arith.mulf %mul3A_566, %add3A_527 : vector<64x128xf32>
    %add3A_568 = arith.addf %mul3A_562, %mul3A_567 : vector<64x128xf32>
    %swap3A = arith.constant 0 : index
    %swap3A_569 = arith.constant 0 : index
    %swap3A_570 = vector.load %arg14[%swap3A, %swap3A_569] : memref<64x128xf32, #tpu.memory_space<vmem>>, vector<64x128xf32>
    tpu.vector_store %arg14[%swap3A, %swap3A_569], %add3A_568 {strides = array<i32>} : memref<64x128xf32, #tpu.memory_space<vmem>>, vector<64x128xf32>,
    return
  }
}

</mosaic_0001>

<sc_bundles>
// kernel: kernel.4.cloned.1.call-start
scs
__scs_entry_jumppad:
0x0: {  	(pc) =	sbr.rel $0x88, $3  }
0x1: {  	(tag) =	ssettag $0x0;
	lr =	simm.s32 $0x1  }
0x2: {  	[smem:$0x3F92] =	sst lr;
	_ =	strace $0xD0000000  }
0x3: {  	_ = 	snop  }
0x4: {  	_ = 	snop  }
0x5: {  	_ = 	snop  }
0x6: {  	_ = 	snop  }
0x7: {  	_ = 	snop  }
__scs_overlays_trampoline_lowered:
0x8: {  	[smem:$0x3FA1] =	sst s0  }
0x9: {  	[smem:$0x3FA2] =	sst s1  }
0xa: {  	[smem:$0x3FA3] =	sst s2  }
0xb: {  	[smem:$0x3FA4] =	sst s3  }
0xc: {  	[smem:$0x3FA5] =	sst s4  }
0xd: {  	[smem:$0x3FA6] =	sst s5  }
0xe: {  	[smem:$0x3FA7] =	sst s6  }
0xf: {  	[smem:$0x3FA8] =	sst s7  }
0x10: {  	[smem:$0x3FA9] =	sst s8  }
0x11: {  	[smem:$0x3FAA] =	sst s9;
	s0 =	simm.s32 @!p0 $0x0  }
0x12: {  	s1 =	sld [smem:$0x3F90];
	s0 =	simm.s32 @p0 $0x1  }
0x13: {  	[smem:$0x3FAB] =	sst s0;
	s0 =	simm.s32 @!p1 $0x0  }
0x14: {  	s2 =	sld [smem:$0x3F8F];
	s0 =	simm.s32 @p1 $0x1  }
0x15: {  	[smem:$0x3FAC] =	sst s0;
	s0 =	simm.s32 @!p2 $0x0  }
0x16: {  	s3 =	sld [smem:$0x3FDB];
	s0 =	simm.s32 @p2 $0x1  }
0x17: {  	s4 =	simm.s32 $0x1BF5;
	[smem:$0x3FAE] =	sst s0  }
0x18: {  	s0 =	sld [smem:$0x3F91];
	_ =	swait.ge [sflag:s4], $0x0  }
0x19: {  	s7 =	sld [smem:$0x3F92]  }
0x1a: {  	s8 =	sadd.s32 $0xFFFFE003, lr  }
0x1b: {  	s9 =	sadd.s32 $0xFFFFFEF7, lr;
	s5 =	simm.s32 $0xFFFFFFFF;
	p2 =	slt.u32 s8, $0xFFFFF086  }
0x1c: {  	p1 =	slt.u32 s9, $0xF7A;
	s5 =	simm.s32 @!p2 $0x0  }
0x1d: {  	s5 =	simm.s32 @p1 $0x1;
	p0 =	seq.s32 s7, s2  }
0x1e: {  	s7 =	smul.u32 @!p0 $0xF7A, s2;
	p2 =	seq.s32 @!p0 s5, $0x0  }
0x1f: {  	s9 =	smul.u32 $0xF7A, s1;
	s8 =	simm.s32 @!p0 $0x1BF5;
	p2 =	por !p2, p0  }
0x20: {  	[sflag:s8] =	ssyncset.s32 @!p0 $0xFFFFF086;
	s6 =	sadd.s32 @!p0 s3, s7;
	s7 =	simm.s32 @!p0 $0x108  }
0x21: {  	s3 =	sadd.s32 s3, s9;
	s6 =	sadd.s32 @!p0 $0x88, s6;
	s7 =	simm.s32 @p2 $0x1082  }
0x22: {  	[simem:s7], [sflag:s8] =	dma.local @!p0 [hbm:s6], $0xF7A  }
0x23: {  	s9 =	sor.u32 $0xD0000000, s2;
	s6 =	simm.s32 $0x108;
	_ =	swait.ge @!p0 [sflag:s8], $0x0  }
0x24: {  	s3 =	sadd.s32 $0x88, s3;
	s6 =	simm.s32 @!p1 $0x1082;
	[sflag:s4] =	ssyncset.s32 $0xFFFFF086  }
0x25: {  	[simem:s6], [sflag:s4] =	dma.local [hbm:s3], $0xF7A  }
0x26: {  	[smem:$0x3F92] =	sst s1;
	(tag) =	ssettag s2;
	_ =	strace s9  }
0x27: {  	s1 =	sld [smem:$0x3FA2]  }
0x28: {  	s2 =	sld [smem:$0x3FA3]  }
0x29: {  	s4 =	sld [smem:$0x3FA5]  }
0x2a: {  	p0 =	seq.s32 s5, $0x0;
	s5 =	sld [smem:$0x3FA6]  }
0x2b: {  	s6 =	sld [smem:$0x3FA7]  }
0x2c: {  	s7 =	sld [smem:$0x3FA8]  }
0x2d: {  	s3 =	simm.s32 $0x108;
	s8 =	sld [smem:$0x3FA9]  }
0x2e: {  	s3 =	simm.s32 @!p0 $0x1082;
	s9 =	sld [smem:$0x3FAA]  }
0x2f: {  	lr =	sadd.s32 s0, s3;
	s0 =	sld [smem:$0x3FA1]  }
0x30: {  	s3 =	sld [smem:$0x3FA4]  }
0x31: {  	[smem:$0x3FAD] =	sst s10  }
0x32: {  	s10 =	sld [smem:$0x3FAB];
	_ =	sdelay $0x3  }
0x33: {  	p0 =	seq.s32 s10, $0x1;
	s10 =	sld [smem:$0x3FAD];
	_ =	sdelay $0x3  }
0x34: {  	[smem:$0x3FAD] =	sst s10  }
0x35: {  	s10 =	sld [smem:$0x3FAC];
	_ =	sdelay $0x3  }
0x36: {  	p1 =	seq.s32 s10, $0x1;
	s10 =	sld [smem:$0x3FAD];
	_ =	sdelay $0x3  }
0x37: {  	[smem:$0x3FAD] =	sst s10  }
0x38: {  	s10 =	sld [smem:$0x3FAE]  }
0x39: {  	_ = 	snop;
	(pc) =	sbr.ind lr, $3  }
0x3a: {  	_ = 	snop  }
0x3b: {  	_ = 	snop  }
0x3c: {  	p2 =	seq.s32 s10, $0x1;
	s10 =	sld [smem:$0x3FAD]  }
0x3d: {  	_ =	shalt  }
0x3e: {  	_ =	shalt  }
0x3f: {  	_ =	shalt  }
0x40: {  	_ =	shalt  }
0x41: {  	_ =	shalt  }
0x42: {  	_ =	shalt  }
0x43: {  	_ =	shalt  }
0x44: {  	_ =	shalt  }
0x45: {  	_ =	shalt  }
0x46: {  	_ =	shalt  }
0x47: {  	_ =	shalt  }
0x48: {  	_ =	shalt  }
0x49: {  	_ =	shalt  }
0x4a: {  	_ =	shalt  }
0x4b: {  	_ =	shalt  }
0x4c: {  	_ =	shalt  }
0x4d: {  	_ =	shalt  }
0x4e: {  	_ =	shalt  }
0x4f: {  	_ =	shalt  }
0x50: {  	_ =	shalt  }
0x51: {  	_ =	shalt  }
0x52: {  	_ =	shalt  }
0x53: {  	_ =	shalt  }
0x54: {  	_ =	shalt  }
0x55: {  	_ =	shalt  }
0x56: {  	_ =	shalt  }
0x57: {  	_ =	shalt  }
0x58: {  	_ =	shalt  }
0x59: {  	_ =	shalt  }
0x5a: {  	_ =	shalt  }
0x5b: {  	_ =	shalt  }
0x5c: {  	_ =	shalt  }
0x5d: {  	_ =	shalt  }
0x5e: {  	_ =	shalt  }
0x5f: {  	_ =	shalt  }
0x60: {  	_ =	shalt  }
0x61: {  	_ =	shalt  }
0x62: {  	_ =	shalt  }
0x63: {  	_ =	shalt  }
0x64: {  	_ =	shalt  }
0x65: {  	_ =	shalt  }
0x66: {  	_ =	shalt  }
0x67: {  	_ =	shalt  }
0x68: {  	_ =	shalt  }
0x69: {  	_ =	shalt  }
0x6a: {  	_ =	shalt  }
0x6b: {  	_ =	shalt  }
0x6c: {  	_ =	shalt  }
0x6d: {  	_ =	shalt  }
0x6e: {  	_ =	shalt  }
0x6f: {  	_ =	shalt  }
0x70: {  	_ =	shalt  }
0x71: {  	_ =	shalt  }
0x72: {  	_ =	shalt  }
0x73: {  	_ =	shalt  }
0x74: {  	_ =	shalt  }
0x75: {  	_ =	shalt  }
0x76: {  	_ =	shalt  }
0x77: {  	_ =	shalt  }
0x78: {  	_ =	shalt  }
0x79: {  	_ =	shalt  }
0x7a: {  	_ =	shalt  }
0x7b: {  	_ =	shalt  }
0x7c: {  	_ =	shalt  }
0x7d: {  	_ =	shalt  }
0x7e: {  	_ =	shalt  }
0x7f: {  	_ =	shalt  }
0x80: {  	_ =	shalt  }
0x81: {  	_ =	shalt  }
0x82: {  	_ =	shalt  }
0x83: {  	_ =	shalt  }
0x84: {  	_ =	shalt  }
0x85: {  	_ =	shalt  }
0x86: {  	_ =	shalt  }
0x87: {  	_ =	shalt  }
.Lfunc_end0:
.L_simem_size_0:
called_computation_lowered:
.L_overlay_start_0:
0x88: {  	s2 =	sld [smem:$0x3FD9]  }
0x89: {  	s3 =	sld [smem:$0x3FFE];
	_ =	sdelay $0x1  }
0x8a: {  	s1 =	srdreg.scid  }
0x8b: {  	s0 =	sand.u32 $0x1, s1  }
0x8c: {  	s14 =	sshll.u32 s0, $0xA;
	s2 =	sadd.s32 s3, s2  }
0x8d: {  	s2 =	sadd.s32 s2, s14  }
0x8e: {  	[smem:$0x3FB9] =	sst s2  }
0x8f: {  	_ = 	snop  }
0x90: {  	s2 =	sld [smem:$0x3FD0];
	_ =	sdelay $0x2  }
0x91: {  	s4 =	simm.s32 $0xA;
	s5 =	simm.s32 $0x10;
	s15 =	sld [smem:$0x3FC9]  }
0x92: {  	[smem:s5], [sflag:s4] =	dma.local [hbm:s2], $0x1  }
0x93: {  	_ =	swait.eq [sflag:s4], $0x1  }
0x94: {  	[sflag:s4] =	ssyncset.done $0x0  }
0x95: {  	[sflag:s4] =	ssyncadd.s32 $0xFFFFFFFF  }
0x96: {  	s16 =	sld [smem:$0x10];
	(tm) =	ssettm $0x1  }
0x97: {  	s17 =	sld [smem:$0x3FFB];
	_ =	sdelay $0x3  }
0x98: {  	_ =	strace s17  }
0x99: {  	s4 =	sld [smem:$0x3FFC];
	_ =	sdelay $0x3  }
0x9a: {  	_ =	strace s4  }
0x9b: {  	s4 =	sld [smem:$0x3FFD];
	_ =	sdelay $0x3  }
0x9c: {  	_ =	strace s4  }
0x9d: {  	_ =	strace $0x8FFFFFFF  }
0x9e: {  	s18 =	sld [smem:$0x3FDB];
	_ =	sdelay $0x1  }
0x9f: {  	s19 =	simm.s32 $_scs_section_size  }
0xa0: {  	s6 =	simm.s32 $_size__tile_overlayer_lowered;
	s7 =	simm.s32 $_tile_overlayer_lowered  }
0xa1: {  	s22 =	simm.s32 $0x1BFF;
	s21 =	sshll.u32 s7, $0x1;
	s4 =	sadd.s32 s19, s18  }
0xa2: {  	s8 =	simm.s32 $0x0;
	s20 =	sshll.u32 s6, $0x1;
	s6 =	sadd.s32 s21, s4  }
0xa3: {  	[timem:s8], [sflag:s22] =	dma.local [hbm:s6], s20  }
0xa4: {  	_ =	swait.ge [sflag:s22], s20  }
0xa5: {  	s5 =	ssub.s32 $0x0, s20;
	[sflag:s22] =	ssyncset.done $0x0  }
0xa6: {  	[sflag:s22] =	ssyncadd.s32 s5;
	_ =	sdelay $0x1  }
0xa7: {  	s23 =	simm.s32 $0x1B8B  }
0xa8: {  	_ =	swait.ge [sflag:s23], $0x1  }
0xa9: {  	[sflag:s23] =	ssyncset.done $0x0  }
0xaa: {  	s25 =	simm.s32 $0x1B8E;
	s24 =	sld [smem:$0x3FFE];
	[sflag:s23] =	ssyncadd.s32 $0xFFFFFFFF  }
0xab: {  	s26 =	simm.s32 $execute0_lowered;
	[smem:$0x3FD2] =	sst s25  }
0xac: {  	s6 =	sshll.u32 s26, $0x1;
	_ =	strace $0x80000046;
	[dreg:$0x1] =	wrdreg $0xFFFFFFFF  }
0xad: {  	s28 =	simm.s32 $_size_execute0_lowered;
	s4 =	sadd.s32 s4, s6;
	[dreg:$0x0] =	wrdreg $0x0  }
0xae: {  	s6 =	sshll.u32 s28, $0x1;
	[dreg:$0x2] =	wrdreg s4  }
0xaf: {  	[dreg:$0x3] =	wrdreg s6  }
0xb0: {  	[dreg:$0x4] =	wrdreg $0xC0  }
0xb1: {  	_ =	task [dreg:s8], $0x5FFFF  }
0xb2: {  	[dreg:$0x1] =	wrdreg $0xFFFFFFFF  }
0xb3: {  	[dreg:$0x0] =	wrdreg $0x60  }
0xb4: {  	[dreg:$0x2] =	wrdreg s24  }
0xb5: {  	[dreg:$0x3] =	wrdreg s15  }
0xb6: {  	[dreg:$0x4] =	wrdreg s16  }
0xb7: {  	[dreg:$0x5] =	wrdreg $0x0  }
0xb8: {  	[dreg:$0x6] =	wrdreg $0x9  }
0xb9: {  	_ =	task.clear_ibuf [dreg:s8], $0x7FFFF;
	_ =	strace $0x90000046  }
0xba: {  	s29 =	simm.s32 $0x9;
	_ =	strace $0x80000048  }
0xbb: {  	_ =	swait.ge [sflag:s29], $0x1  }
0xbc: {  	[sflag:s29] =	ssyncadd.s32 $0xFFFFFFFF  }
0xbd: {  	_ =	strace $0x90000048  }
0xbe: {  	_ =	sfence  }
0xbf: {  	s30 =	sld [smem:$0x0];
	_ =	sdelay $0x2  }
0xc0: {  	s31 =	sshll.u32 s1, $0xD;
	s1 =	sshrl.u32 s1, $0x2  }
0xc1: {  	s3 =	sand.u32 $0x4000, s31;
	s1 =	sadd.s32 s1, s30  }
0xc2: {  	s0 =	sor.u32 s3, s0;
	s1 =	sshll.u32 s1, $0x11  }
0xc3: {  	s0 =	sor.u32 s1, s0  }
0xc4: {  	s0 =	sadd.s32 $0x8F2B, s0  }
0xc5: {  	[sflag:s0] =	ssyncadd.remote.s32 $0x1  }
0xc6: {  	_ =	sfence.sel $0xFFFF  }
0xc7: {  	[dreg:$0x0] =	wrdreg $0xFFFFFFFF;
	(pc) =	sbr.abs _section_cstart, $3  }
0xc8: {  	[dreg:$0x1] =	wrdreg $0xFFFFFFFF  }
0xc9: {  	_ =	task.clear_ibuf [dreg:s8], $0x2FFFF;
	_ =	strace $0x9FFFFFFF  }
0xca: {  	(tm) =	ssettm $0x7FFFFFFF  }
0xcb: {  	_ =	shalt  }
tec
execute0_lowered:
.L_overlay_start_1:
0x0: {  	(tag) =	ssettag $0x1  }
0x1: {  	s0 =	rddreg [dreg:$0x0]  }
0x2: {  	s2 =	rddreg [dreg:$0x1]  }
0x3: {  	s3 =	rddreg [dreg:$0x2]  }
0x4: {  	s5 =	rddreg [dreg:$0x3]  }
0x5: {  	s30 =	rddreg [dreg:$0x4];
	s4 =	srdreg.scid  }
0x6: {  	s1 =	simm.s32 $0x0;
	s8 =	stileid.u32;
	s18 =	simm.s32 $0x200  }
0x7: {  	s19 =	simm.s32 $0x3;
	s17 =	simm.s32 $0x40;
	s16 =	simm.s32 $0x400  }
0x8: {  	s15 =	simm.s32 $0x2400;
	s14 =	simm.s32 $0x4400;
	s13 =	simm.s32 $0x6400  }
0x9: {  	s12 =	simm.s32 $0x8400;
	s10 =	simm.s32 $0xA400;
	p1 =	por $0x0, $0x0  }
0xa: {  	s9 =	simm.s32 $0xE400;
	s11 =	simm.s32 $0x1;
	s4 =	sand.u32 $0x1, s4  }
0xb: {  	[smem:$0x7FF] =	sst s1;
	s6 =	sshll.u32 s8, $0xA;
	s0 =	sadd.s32 $0x2200, s0  }
0xc: {  	p0 =	sne.s32 s8, $0x0;
	s8 =	simm.s32 $0xC400;
	s7 =	sshll.u32 s4, $0x9  }
0xd: {  	_ =	strace $0x80000047;
	[dreg:$0x5] =	wrdreg s0;
	s23 =	ssub.s32 $0x2, s4  }
0xe: {  	s28 =	sshrl.u32 @!p0 s5, $0x3;
	s6 =	sor.u32 s7, s6;
	s25 =	sshrl.u32 s23, $0x1  }
0xf: {  	s0 =	rddreg [dreg:$0x5];
	s7 =	sshrl.u32 s6, $0x3;
	s6 =	sshll.u32 s6, $0x4  }
0x10: {  	s20 =	sadd.s32 s2, s7;
	s7 =	sadd.s32 s3, s6;
	s3 =	ssub.s32 s23, s25  }
0x11: {  	s23 =	simm.s32 $0x300;
	s25 =	simm.s32 $0x380;
	s29 =	smax.u32 s3, $0x1  }
0x12: {  	[dreg:$0x6] =	wrdreg s20;
	s21 =	sadd.s32 $0x400, s7;
	s31 =	sadd.s32 $0xFFFFFFFF, s29  }
0x13: {  	s22 =	sadd.s32 $0x800, s7;
	s24 =	sadd.s32 $0xC00, s7;
	p2 =	sne.s32 s31, $0x0  }
.Ltmp0:
0x14: {  	s26 =	sadd.s32 $0x1000, s7;
	[dreg:$0x7] =	wrdreg s21;
	(pc) =	sbr.rel @!p2 .LBB2_5-.Ltmp0, $4  }
0x15: {  	s6 =	sadd.s32 $0x1400, s7;
	s4 =	sadd.s32 $0x1800, s7;
	[dreg:$0x8] =	wrdreg s22  }
0x16: {  	s2 =	sadd.s32 $0x1C00, s7;
	s20 =	simm.s32 $0x240;
	[dreg:$0x9] =	wrdreg s24  }
0x17: {  	s3 =	simm.s32 $0x2;
	[dreg:$0xa] =	wrdreg s26;
	s21 =	simm.s32 $0x280  }
0x18: {  	s22 =	simm.s32 $0x2C0;
	s24 =	simm.s32 $0x340;
	s26 =	simm.s32 $0x3C0  }
0x19: {  	s29 =	simm.s32 @!p0 $0x1C03;
	s30 =	simm.s32 @!p0 $0x3  }
0x1a: {  	[spmem:s28], [sflag:s29] =	dma.local @!p0 [hbm:s0], $0x400  }
0x1b: {  	_ =	swait.ge @!p0 [sflag:s30], $0x400  }
0x1c: {  	[sflag:s30] =	ssyncset.done @!p0 $0x0  }
0x1d: {  	s0 =	rddreg [dreg:$0x6];
	[sflag:s30] =	ssyncadd.s32 @!p0 $0xFFFFFC00  }
0x1e: {  	[tilespmem:s18], [sflag:$0x3] =	stream.linear.gather [hbm4b:s0+s1], $0x200, $0x38;
	[tilespmem:$0x10400] =	vst v63  }
0x1f: {  	_ =	swait.ge [sflag:s19], $0x200  }
0x20: {  	[sflag:s19] =	ssyncset.done $0x0  }
0x21: {  	[sflag:s19] =	ssyncadd.s32 $0xFFFFFE00  }
0x22: {  	[bflag:$0x0] =	sbarrier.arrive $0xFFFF  }
0x23: {  	[tilespmem:s16], [sflag:$0x1] =	stream.indirect.gather [spmem:s5], $0x80, s18, s17, $0xb8;
	[tilespmem:$0x10400] =	vst v63  }
0x24: {  	_ = 	snop  }
0x25: {  	[tilespmem:s15], [sflag:$0x1] =	stream.indirect.gather [spmem:s5], $0x80, s20, s17, $0xb8;
	[tilespmem:$0x10400] =	vst v63  }
0x26: {  	_ = 	snop  }
0x27: {  	[tilespmem:s14], [sflag:$0x1] =	stream.indirect.gather [spmem:s5], $0x80, s21, s17, $0xb8;
	[tilespmem:$0x10400] =	vst v63  }
0x28: {  	_ = 	snop  }
0x29: {  	[tilespmem:s13], [sflag:$0x1] =	stream.indirect.gather [spmem:s5], $0x80, s22, s17, $0xb8;
	[tilespmem:$0x10400] =	vst v63  }
0x2a: {  	_ = 	snop  }
0x2b: {  	[tilespmem:s12], [sflag:$0x1] =	stream.indirect.gather [spmem:s5], $0x80, s23, s17, $0xb8;
	[tilespmem:$0x10400] =	vst v63  }
0x2c: {  	_ = 	snop  }
0x2d: {  	[tilespmem:s10], [sflag:$0x1] =	stream.indirect.gather [spmem:s5], $0x80, s24, s17, $0xb8;
	[tilespmem:$0x10400] =	vst v63  }
0x2e: {  	_ = 	snop  }
0x2f: {  	[tilespmem:s8], [sflag:$0x1] =	stream.indirect.gather [spmem:s5], $0x80, s25, s17, $0xb8;
	[tilespmem:$0x10400] =	vst v63  }
0x30: {  	_ = 	snop  }
0x31: {  	[tilespmem:s9], [sflag:$0x1] =	stream.indirect.gather [spmem:s5], $0x80, s26, s17, $0xb8;
	[tilespmem:$0x10400] =	vst v63  }
0x32: {  	_ =	swait.ge [sflag:s11], $0x2000  }
0x33: {  	[sflag:s11] =	ssyncset.done $0x0  }
0x34: {  	[sflag:s11] =	ssyncadd.s32 $0xFFFFE000  }
0x35: {  	[hbm4b:s7+s1] =	stream.linear.scatter [tilespmem:s16], [sflag:$0x2], $0x2000, $0x38;
	[tilespmem:$0x10400] =	vst v63  }
0x36: {  	_ =	swait.ge [sflag:s11], $0x2000  }
0x37: {  	[sflag:s11] =	ssyncset.done $0x0  }
0x38: {  	s0 =	rddreg [dreg:$0x7];
	[sflag:s11] =	ssyncadd.s32 $0xFFFFE000  }
0x39: {  	[hbm4b:s0+s1] =	stream.linear.scatter [tilespmem:s15], [sflag:$0x2], $0x2000, $0x38;
	[tilespmem:$0x10400] =	vst v63  }
0x3a: {  	_ =	swait.ge [sflag:s11], $0x2000  }
0x3b: {  	[sflag:s11] =	ssyncset.done $0x0  }
0x3c: {  	s0 =	rddreg [dreg:$0x8];
	[sflag:s11] =	ssyncadd.s32 $0xFFFFE000  }
0x3d: {  	[hbm4b:s0+s1] =	stream.linear.scatter [tilespmem:s14], [sflag:$0x2], $0x2000, $0x38;
	[tilespmem:$0x10400] =	vst v63  }
0x3e: {  	_ =	swait.ge [sflag:s11], $0x2000  }
0x3f: {  	[sflag:s11] =	ssyncset.done $0x0  }
0x40: {  	s0 =	rddreg [dreg:$0x9];
	[sflag:s11] =	ssyncadd.s32 $0xFFFFE000  }
0x41: {  	[hbm4b:s0+s1] =	stream.linear.scatter [tilespmem:s13], [sflag:$0x2], $0x2000, $0x38;
	[tilespmem:$0x10400] =	vst v63  }
0x42: {  	_ =	swait.ge [sflag:s11], $0x2000  }
0x43: {  	[sflag:s11] =	ssyncset.done $0x0  }
0x44: {  	s0 =	rddreg [dreg:$0xa];
	[sflag:s11] =	ssyncadd.s32 $0xFFFFE000  }
0x45: {  	[hbm4b:s0+s1] =	stream.linear.scatter [tilespmem:s12], [sflag:$0x2], $0x2000, $0x38;
	[tilespmem:$0x10400] =	vst v63  }
0x46: {  	_ =	swait.ge [sflag:s11], $0x2000  }
0x47: {  	[sflag:s11] =	ssyncset.done $0x0  }
0x48: {  	[sflag:s11] =	ssyncadd.s32 $0xFFFFE000  }
0x49: {  	[hbm4b:s6+s1] =	stream.linear.scatter [tilespmem:s10], [sflag:$0x2], $0x2000, $0x38;
	[tilespmem:$0x10400] =	vst v63  }
0x4a: {  	_ =	swait.ge [sflag:s11], $0x2000  }
0x4b: {  	[sflag:s11] =	ssyncset.done $0x0  }
0x4c: {  	[sflag:s11] =	ssyncadd.s32 $0xFFFFE000  }
0x4d: {  	[hbm4b:s4+s1] =	stream.linear.scatter [tilespmem:s8], [sflag:$0x2], $0x2000, $0x38;
	[tilespmem:$0x10400] =	vst v63  }
0x4e: {  	_ =	swait.ge [sflag:s11], $0x2000  }
0x4f: {  	[sflag:s11] =	ssyncset.done $0x0  }
0x50: {  	[sflag:s11] =	ssyncadd.s32 $0xFFFFE000  }
0x51: {  	[hbm4b:s2+s1] =	stream.linear.scatter [tilespmem:s9], [sflag:$0x2], $0x2000, $0x38;
	[tilespmem:$0x10400] =	vst v63  }
0x52: {  	_ =	swait.ge [sflag:s3], $0x2000  }
0x53: {  	[sflag:s3] =	ssyncset.done $0x0  }
0x54: {  	[sflag:s3] =	ssyncadd.s32 $0xFFFFE000  }
0x55: {  	_ =	swait.ge [sflag:s3], $0x2000  }
0x56: {  	[sflag:s3] =	ssyncset.done $0x0  }
0x57: {  	[sflag:s3] =	ssyncadd.s32 $0xFFFFE000  }
0x58: {  	_ =	swait.ge [sflag:s3], $0x2000  }
0x59: {  	[sflag:s3] =	ssyncset.done $0x0  }
0x5a: {  	[sflag:s3] =	ssyncadd.s32 $0xFFFFE000  }
0x5b: {  	_ =	swait.ge [sflag:s3], $0x2000  }
0x5c: {  	[sflag:s3] =	ssyncset.done $0x0  }
0x5d: {  	[sflag:s3] =	ssyncadd.s32 $0xFFFFE000  }
0x5e: {  	_ =	swait.ge [sflag:s3], $0x2000  }
0x5f: {  	[sflag:s3] =	ssyncset.done $0x0  }
0x60: {  	[sflag:s3] =	ssyncadd.s32 $0xFFFFE000  }
0x61: {  	_ =	swait.ge [sflag:s3], $0x2000  }
0x62: {  	s31 =	sadd.s32 $0xFFFFFFFF, s31;
	[sflag:s3] =	ssyncset.done $0x0  }
0x63: {  	p2 =	sne.s32 s31, $0x0;
	[sflag:s3] =	ssyncadd.s32 $0xFFFFE000  }
.Ltmp1:
0x64: {  	_ =	swait.ge [sflag:s3], $0x2000;
	(pc) =	sbr.rel @!p2 .LBB2_2-.Ltmp1, $4  }
0x65: {  	[sflag:s3] =	ssyncset.done $0x0  }
0x66: {  	[sflag:s3] =	ssyncadd.s32 $0xFFFFE000  }
0x67: {  	_ =	swait.ge [sflag:s3], $0x2000  }
0x68: {  	p1 =	por $0x1, $0x1;
	s0 =	rddreg [dreg:$0x5];
	[sflag:s3] =	ssyncset.done $0x0  }
.LBB2_3:
0x69: {  	[sflag:s3] =	ssyncadd.s32 $0xFFFFE000  }
0x6a: {  	[spmem:s28], [sflag:s29] =	dma.local @!p0 [hbm:s0], $0x400  }
0x6b: {  	_ =	swait.ge @!p0 [sflag:s30], $0x400  }
0x6c: {  	[sflag:s30] =	ssyncset.done @!p0 $0x0  }
0x6d: {  	s0 =	rddreg [dreg:$0x6];
	[sflag:s30] =	ssyncadd.s32 @!p0 $0xFFFFFC00  }
0x6e: {  	[tilespmem:s18], [sflag:$0x3] =	stream.linear.gather [hbm4b:s0+s1], $0x200, $0x38;
	[tilespmem:$0x10400] =	vst v63  }
0x6f: {  	_ =	swait.ge [sflag:s19], $0x200  }
0x70: {  	[sflag:s19] =	ssyncset.done $0x0  }
0x71: {  	[sflag:s19] =	ssyncadd.s32 $0xFFFFFE00  }
0x72: {  	[bflag:$0x0] =	sbarrier.arrive $0xFFFF  }
0x73: {  	[tilespmem:s16], [sflag:$0x1] =	stream.indirect.gather [spmem:s5], $0x80, s18, s17, $0xb8;
	[tilespmem:$0x10400] =	vst v63  }
0x74: {  	_ = 	snop  }
0x75: {  	[tilespmem:s15], [sflag:$0x1] =	stream.indirect.gather [spmem:s5], $0x80, s20, s17, $0xb8;
	[tilespmem:$0x10400] =	vst v63  }
0x76: {  	_ = 	snop  }
0x77: {  	[tilespmem:s14], [sflag:$0x1] =	stream.indirect.gather [spmem:s5], $0x80, s21, s17, $0xb8;
	[tilespmem:$0x10400] =	vst v63  }
0x78: {  	_ = 	snop  }
0x79: {  	[tilespmem:s13], [sflag:$0x1] =	stream.indirect.gather [spmem:s5], $0x80, s22, s17, $0xb8;
	[tilespmem:$0x10400] =	vst v63  }
0x7a: {  	_ = 	snop  }
0x7b: {  	[tilespmem:s12], [sflag:$0x1] =	stream.indirect.gather [spmem:s5], $0x80, s23, s17, $0xb8;
	[tilespmem:$0x10400] =	vst v63  }
0x7c: {  	_ = 	snop  }
0x7d: {  	[tilespmem:s10], [sflag:$0x1] =	stream.indirect.gather [spmem:s5], $0x80, s24, s17, $0xb8;
	[tilespmem:$0x10400] =	vst v63  }
0x7e: {  	_ = 	snop  }
0x7f: {  	[tilespmem:s8], [sflag:$0x1] =	stream.indirect.gather [spmem:s5], $0x80, s25, s17, $0xb8;
	[tilespmem:$0x10400] =	vst v63  }
0x80: {  	_ = 	snop  }
0x81: {  	[tilespmem:s9], [sflag:$0x1] =	stream.indirect.gather [spmem:s5], $0x80, s26, s17, $0xb8;
	[tilespmem:$0x10400] =	vst v63  }
0x82: {  	_ =	swait.ge [sflag:s11], $0x2000  }
0x83: {  	[sflag:s11] =	ssyncset.done $0x0  }
0x84: {  	[sflag:s11] =	ssyncadd.s32 $0xFFFFE000  }
0x85: {  	[hbm4b:s7+s1] =	stream.linear.scatter [tilespmem:s16], [sflag:$0x2], $0x2000, $0x38;
	[tilespmem:$0x10400] =	vst v63  }
0x86: {  	_ =	swait.ge [sflag:s11], $0x2000  }
0x87: {  	[sflag:s11] =	ssyncset.done $0x0  }
0x88: {  	s0 =	rddreg [dreg:$0x7];
	[sflag:s11] =	ssyncadd.s32 $0xFFFFE000  }
0x89: {  	[hbm4b:s0+s1] =	stream.linear.scatter [tilespmem:s15], [sflag:$0x2], $0x2000, $0x38;
	[tilespmem:$0x10400] =	vst v63  }
0x8a: {  	_ =	swait.ge [sflag:s11], $0x2000  }
0x8b: {  	[sflag:s11] =	ssyncset.done $0x0  }
0x8c: {  	s0 =	rddreg [dreg:$0x8];
	[sflag:s11] =	ssyncadd.s32 $0xFFFFE000  }
0x8d: {  	[hbm4b:s0+s1] =	stream.linear.scatter [tilespmem:s14], [sflag:$0x2], $0x2000, $0x38;
	[tilespmem:$0x10400] =	vst v63  }
0x8e: {  	_ =	swait.ge [sflag:s11], $0x2000  }
0x8f: {  	[sflag:s11] =	ssyncset.done $0x0  }
0x90: {  	s0 =	rddreg [dreg:$0x9];
	[sflag:s11] =	ssyncadd.s32 $0xFFFFE000  }
0x91: {  	[hbm4b:s0+s1] =	stream.linear.scatter [tilespmem:s13], [sflag:$0x2], $0x2000, $0x38;
	[tilespmem:$0x10400] =	vst v63  }
0x92: {  	_ =	swait.ge [sflag:s11], $0x2000  }
0x93: {  	[sflag:s11] =	ssyncset.done $0x0  }
0x94: {  	s0 =	rddreg [dreg:$0xa];
	[sflag:s11] =	ssyncadd.s32 $0xFFFFE000  }
0x95: {  	[hbm4b:s0+s1] =	stream.linear.scatter [tilespmem:s12], [sflag:$0x2], $0x2000, $0x38;
	[tilespmem:$0x10400] =	vst v63  }
0x96: {  	_ =	swait.ge [sflag:s11], $0x2000  }
0x97: {  	[sflag:s11] =	ssyncset.done $0x0  }
0x98: {  	[sflag:s11] =	ssyncadd.s32 $0xFFFFE000  }
0x99: {  	[hbm4b:s6+s1] =	stream.linear.scatter [tilespmem:s10], [sflag:$0x2], $0x2000, $0x38;
	[tilespmem:$0x10400] =	vst v63  }
0x9a: {  	_ =	swait.ge [sflag:s11], $0x2000  }
0x9b: {  	[sflag:s11] =	ssyncset.done $0x0  }
0x9c: {  	[sflag:s11] =	ssyncadd.s32 $0xFFFFE000  }
0x9d: {  	[hbm4b:s4+s1] =	stream.linear.scatter [tilespmem:s8], [sflag:$0x2], $0x2000, $0x38;
	[tilespmem:$0x10400] =	vst v63  }
0x9e: {  	_ =	swait.ge [sflag:s11], $0x2000  }
0x9f: {  	[sflag:s11] =	ssyncset.done $0x0  }
0xa0: {  	[sflag:s11] =	ssyncadd.s32 $0xFFFFE000  }
0xa1: {  	[hbm4b:s2+s1] =	stream.linear.scatter [tilespmem:s9], [sflag:$0x2], $0x2000, $0x38;
	[tilespmem:$0x10400] =	vst v63  }
0xa2: {  	_ =	swait.ge [sflag:s3], $0x2000  }
0xa3: {  	[sflag:s3] =	ssyncset.done $0x0  }
0xa4: {  	[sflag:s3] =	ssyncadd.s32 $0xFFFFE000  }
0xa5: {  	_ =	swait.ge [sflag:s3], $0x2000  }
0xa6: {  	[sflag:s3] =	ssyncset.done $0x0  }
0xa7: {  	[sflag:s3] =	ssyncadd.s32 $0xFFFFE000  }
0xa8: {  	_ =	swait.ge [sflag:s3], $0x2000  }
0xa9: {  	[sflag:s3] =	ssyncset.done $0x0  }
0xaa: {  	[sflag:s3] =	ssyncadd.s32 $0xFFFFE000  }
0xab: {  	_ =	swait.ge [sflag:s3], $0x2000  }
0xac: {  	[sflag:s3] =	ssyncset.done $0x0  }
0xad: {  	[sflag:s3] =	ssyncadd.s32 $0xFFFFE000  }
0xae: {  	_ =	swait.ge [sflag:s3], $0x2000  }
0xaf: {  	[sflag:s3] =	ssyncset.done $0x0  }
0xb0: {  	[sflag:s3] =	ssyncadd.s32 $0xFFFFE000  }
0xb1: {  	_ =	swait.ge [sflag:s3], $0x2000  }
0xb2: {  	s31 =	sadd.s32 $0xFFFFFFFF, s31;
	[sflag:s3] =	ssyncset.done $0x0  }
0xb3: {  	p2 =	sne.s32 s31, $0x0;
	[sflag:s3] =	ssyncadd.s32 $0xFFFFE000  }
.Ltmp2:
0xb4: {  	_ =	swait.ge [sflag:s3], $0x2000;
	(pc) =	sbr.rel @p2 .LBB2_3-.Ltmp2, $4  }
0xb5: {  	[sflag:s3] =	ssyncset.done $0x0  }
0xb6: {  	[sflag:s3] =	ssyncadd.s32 $0xFFFFE000  }
0xb7: {  	_ =	swait.ge [sflag:s3], $0x2000  }
0xb8: {  	s0 =	rddreg [dreg:$0x5];
	[sflag:s3] =	ssyncset.done $0x0  }
0xb9: {  	s30 =	rddreg [dreg:$0x4]  }
.LBB2_5:
0xba: {  	[sflag:s3] =	ssyncadd.s32 @p1 $0xFFFFE000;
	s29 =	simm.s32 @!p0 $0x1C03  }
0xbb: {  	[spmem:s28], [sflag:s29] =	dma.local @!p0 [hbm:s0], $0x400  }
0xbc: {  	s0 =	simm.s32 @!p0 $0x3  }
0xbd: {  	_ =	swait.ge @!p0 [sflag:s0], $0x400  }
0xbe: {  	[sflag:s0] =	ssyncset.done @!p0 $0x0  }
0xbf: {  	s31 =	rddreg [dreg:$0x6];
	[sflag:s0] =	ssyncadd.s32 @!p0 $0xFFFFFC00  }
0xc0: {  	[tilespmem:s18], [sflag:$0x3] =	stream.linear.gather [hbm4b:s31+s1], $0x200, $0x38;
	[tilespmem:$0x10400] =	vst v63  }
0xc1: {  	_ =	swait.ge [sflag:s19], $0x200  }
0xc2: {  	[sflag:s19] =	ssyncset.done $0x0  }
0xc3: {  	[sflag:s19] =	ssyncadd.s32 $0xFFFFFE00  }
0xc4: {  	[bflag:$0x0] =	sbarrier.arrive $0xFFFF  }
0xc5: {  	[tilespmem:s16], [sflag:$0x1] =	stream.indirect.gather [spmem:s5], $0x80, s18, s17, $0xb8;
	[tilespmem:$0x10400] =	vst v63  }
0xc6: {  	_ = 	snop  }
0xc7: {  	[tilespmem:s15], [sflag:$0x1] =	stream.indirect.gather [spmem:s5], $0x80, s20, s17, $0xb8;
	[tilespmem:$0x10400] =	vst v63  }
0xc8: {  	_ = 	snop  }
0xc9: {  	[tilespmem:s14], [sflag:$0x1] =	stream.indirect.gather [spmem:s5], $0x80, s21, s17, $0xb8;
	[tilespmem:$0x10400] =	vst v63  }
0xca: {  	_ = 	snop  }
0xcb: {  	[tilespmem:s13], [sflag:$0x1] =	stream.indirect.gather [spmem:s5], $0x80, s22, s17, $0xb8;
	[tilespmem:$0x10400] =	vst v63  }
0xcc: {  	_ = 	snop  }
0xcd: {  	[tilespmem:s12], [sflag:$0x1] =	stream.indirect.gather [spmem:s5], $0x80, s23, s17, $0xb8;
	[tilespmem:$0x10400] =	vst v63  }
0xce: {  	_ = 	snop  }
0xcf: {  	[tilespmem:s10], [sflag:$0x1] =	stream.indirect.gather [spmem:s5], $0x80, s24, s17, $0xb8;
	[tilespmem:$0x10400] =	vst v63  }
0xd0: {  	_ = 	snop  }
0xd1: {  	[tilespmem:s8], [sflag:$0x1] =	stream.indirect.gather [spmem:s5], $0x80, s25, s17, $0xb8;
	[tilespmem:$0x10400] =	vst v63  }
0xd2: {  	_ = 	snop  }
0xd3: {  	[tilespmem:s9], [sflag:$0x1] =	stream.indirect.gather [spmem:s5], $0x80, s26, s17, $0xb8;
	[tilespmem:$0x10400] =	vst v63  }
0xd4: {  	_ =	swait.ge [sflag:s11], $0x2000  }
0xd5: {  	[sflag:s11] =	ssyncset.done $0x0  }
0xd6: {  	[sflag:s11] =	ssyncadd.s32 $0xFFFFE000  }
0xd7: {  	[hbm4b:s7+s1] =	stream.linear.scatter [tilespmem:s16], [sflag:$0x2], $0x2000, $0x38;
	[tilespmem:$0x10400] =	vst v63  }
0xd8: {  	_ =	swait.ge [sflag:s11], $0x2000  }
0xd9: {  	[sflag:s11] =	ssyncset.done $0x0  }
0xda: {  	s26 =	rddreg [dreg:$0x7];
	[sflag:s11] =	ssyncadd.s32 $0xFFFFE000  }
0xdb: {  	[hbm4b:s26+s1] =	stream.linear.scatter [tilespmem:s15], [sflag:$0x2], $0x2000, $0x38;
	[tilespmem:$0x10400] =	vst v63  }
0xdc: {  	_ =	swait.ge [sflag:s11], $0x2000  }
0xdd: {  	[sflag:s11] =	ssyncset.done $0x0  }
0xde: {  	s28 =	rddreg [dreg:$0x8];
	[sflag:s11] =	ssyncadd.s32 $0xFFFFE000  }
0xdf: {  	[hbm4b:s28+s1] =	stream.linear.scatter [tilespmem:s14], [sflag:$0x2], $0x2000, $0x38;
	[tilespmem:$0x10400] =	vst v63  }
0xe0: {  	_ =	swait.ge [sflag:s11], $0x2000  }
0xe1: {  	[sflag:s11] =	ssyncset.done $0x0  }
0xe2: {  	s29 =	rddreg [dreg:$0x9];
	[sflag:s11] =	ssyncadd.s32 $0xFFFFE000  }
0xe3: {  	[hbm4b:s29+s1] =	stream.linear.scatter [tilespmem:s13], [sflag:$0x2], $0x2000, $0x38;
	[tilespmem:$0x10400] =	vst v63  }
0xe4: {  	_ =	swait.ge [sflag:s11], $0x2000  }
0xe5: {  	[sflag:s11] =	ssyncset.done $0x0  }
0xe6: {  	s31 =	rddreg [dreg:$0xa];
	[sflag:s11] =	ssyncadd.s32 $0xFFFFE000  }
0xe7: {  	[hbm4b:s31+s1] =	stream.linear.scatter [tilespmem:s12], [sflag:$0x2], $0x2000, $0x38;
	[tilespmem:$0x10400] =	vst v63  }
0xe8: {  	_ =	swait.ge [sflag:s11], $0x2000  }
0xe9: {  	[sflag:s11] =	ssyncset.done $0x0  }
0xea: {  	[sflag:s11] =	ssyncadd.s32 $0xFFFFE000  }
0xeb: {  	[hbm4b:s6+s1] =	stream.linear.scatter [tilespmem:s10], [sflag:$0x2], $0x2000, $0x38;
	[tilespmem:$0x10400] =	vst v63  }
0xec: {  	_ =	swait.ge [sflag:s11], $0x2000  }
0xed: {  	[sflag:s11] =	ssyncset.done $0x0  }
0xee: {  	[sflag:s11] =	ssyncadd.s32 $0xFFFFE000  }
0xef: {  	[hbm4b:s4+s1] =	stream.linear.scatter [tilespmem:s8], [sflag:$0x2], $0x2000, $0x38;
	[tilespmem:$0x10400] =	vst v63  }
0xf0: {  	_ =	swait.ge [sflag:s11], $0x2000  }
0xf1: {  	[sflag:s11] =	ssyncset.done $0x0  }
0xf2: {  	[sflag:s11] =	ssyncadd.s32 $0xFFFFE000  }
0xf3: {  	[hbm4b:s2+s1] =	stream.linear.scatter [tilespmem:s9], [sflag:$0x2], $0x2000, $0x38;
	[tilespmem:$0x10400] =	vst v63  }
0xf4: {  	_ =	swait.ge [sflag:s3], $0x2000  }
0xf5: {  	[sflag:s3] =	ssyncset.done $0x0  }
0xf6: {  	[sflag:s3] =	ssyncadd.s32 $0xFFFFE000  }
0xf7: {  	_ =	swait.ge [sflag:s3], $0x2000  }
0xf8: {  	[sflag:s3] =	ssyncset.done $0x0  }
0xf9: {  	[sflag:s3] =	ssyncadd.s32 $0xFFFFE000  }
0xfa: {  	_ =	swait.ge [sflag:s3], $0x2000  }
0xfb: {  	[sflag:s3] =	ssyncset.done $0x0  }
0xfc: {  	[sflag:s3] =	ssyncadd.s32 $0xFFFFE000  }
0xfd: {  	_ =	swait.ge [sflag:s3], $0x2000  }
0xfe: {  	[sflag:s3] =	ssyncset.done $0x0  }
0xff: {  	[sflag:s3] =	ssyncadd.s32 $0xFFFFE000  }
0x100: {  	_ =	swait.ge [sflag:s3], $0x2000  }
0x101: {  	[sflag:s3] =	ssyncset.done $0x0  }
0x102: {  	[sflag:s3] =	ssyncadd.s32 $0xFFFFE000  }
0x103: {  	_ =	swait.ge [sflag:s3], $0x2000  }
0x104: {  	[sflag:s3] =	ssyncset.done $0x0  }
0x105: {  	[sflag:s3] =	ssyncadd.s32 $0xFFFFE000  }
0x106: {  	_ =	swait.ge [sflag:s3], $0x2000  }
0x107: {  	[sflag:s3] =	ssyncset.done $0x0  }
0x108: {  	[sflag:s3] =	ssyncadd.s32 $0xFFFFE000  }
0x109: {  	_ =	swait.ge [sflag:s3], $0x2000  }
0x10a: {  	[sflag:s3] =	ssyncset.done $0x0  }
0x10b: {  	[sflag:s3] =	ssyncadd.s32 $0xFFFFE000  }
0x10c: {  	_ =	sfence.sel $0x180000  }
0x10d: {  	[bflag:$0x0] =	sbarrier.arrive $0xFFFF  }
0x10e: {  	_ =	strace $0x90000047  }
0x10f: {  	s0 =	sadd.s32 @!p0 $0x100000, s30;
	[bflag:$0x2] =	sbarrier.arrive $0xFFFF  }
0x110: {  	[sflag:s0] =	ssyncadd.tile.s32 @!p0 $0x1;
	_ =	shalt  }
.LBB2_2:
.Ltmp3:
0x111: {  	(pc) =	sbr.rel .LBB2_5-.Ltmp3, $2  }
0x112: {  	_ =	sdelay $0x2  }
0x113: {  	s30 =	rddreg [dreg:$0x4]  }
.Lfunc_end2:
_tile_overlayer_lowered:
.L_overlay_start_2:
0x114: {  	(tag) =	ssettag $0x2  }
0x115: {  	s0 =	rddreg [dreg:$0x0];
	s2 =	stileid.u32  }
0x116: {  	s1 =	rddreg [dreg:$0x1];
	p0 =	sne.s32 s2, $0x0  }
0x117: {  	s3 =	rddreg [dreg:$0x2];
	[bflag:$0x3] =	sbarrier.arrive $0xFFFF;
	s2 =	simm.s32 @!p0 $0x1C03  }
0x118: {  	[timem:s3], [sflag:s2] =	dma.local @!p0 [hbm:s0], s1  }
0x119: {  	s0 =	simm.s32 @!p0 $0x3  }
0x11a: {  	_ =	swait.ge @!p0 [sflag:s0], s1  }
0x11b: {  	s1 =	ssub.s32 @!p0 $0x0, s1;
	[sflag:s0] =	ssyncset.done @!p0 $0x0  }
0x11c: {  	[sflag:s0] =	ssyncadd.s32 @!p0 s1  }
0x11d: {  	[bflag:$0x3] =	sbarrier.arrive $0xFFFF  }
0x11e: {  	_ =	shalt  }

</sc_bundles>
